<compile_context>
chip_gen: v7x
topology: tpu7x:2x2x1
jax: 0.10.2.dev20260603
libtpu: 0.0.44.dev20260713+nightly
codegen_flags: <defaults>
</compile_context>

<pallas_src>
import functools

import jax
import jax.numpy as jnp
from jax import lax
from jax.experimental import pallas as pl
from jax.experimental.pallas import tpu as pltpu
from jax.experimental.pallas import tpu_sc as plsc

NC = 2
NS = 16
LANES = 16
CH = 128
G = 16


def _fill_loop(ref, nrows, ncols, val):
    k = ncols // LANES
    v = jnp.full((LANES,), val, jnp.float32)

    def body(i, _):
        ref[i // k, pl.ds((i % k) * LANES, LANES)] = v
        return 0

    lax.fori_loop(0, nrows * k, body, 0)


def _make_deg_kernel(npad, nchunk):
    mesh = plsc.VectorSubcoreMesh(
        core_axis_name="c", subcore_axis_name="s", num_cores=NC, num_subcores=NS
    )
    rpt = npad // NS

    @functools.partial(
        pl.kernel,
        out_type=[jax.ShapeDtypeStruct((npad, G), jnp.float32)] * NC,
        mesh=mesh,
        scratch_types=[
            pltpu.VMEM((nchunk, CH), jnp.int32),
            pltpu.VMEM((CH, G), jnp.float32),
            pltpu.VMEM_SHARED((npad, G), jnp.float32),
        ],
    )
    def deg_kernel(dst_hbm, out0, out1, dst_v, buf_v, acc_sh):
        c = lax.axis_index("c")
        s = lax.axis_index("s")
        w = c * NS + s

        _fill_loop(buf_v, CH, G, 0.0)
        for kk in range(rpt // CH):
            pltpu.sync_copy(buf_v, acc_sh.at[pl.ds(s * rpt + kk * CH, CH)])
        plsc.subcore_barrier()

        _fill_loop(buf_v, CH, G, 1.0)
        pltpu.sync_copy(dst_hbm.at[w], dst_v)

        def body(j, _):
            pltpu.sync_copy(buf_v, acc_sh.at[dst_v.at[j]], add=True)
            return 0

        lax.fori_loop(0, nchunk, body, 0)
        plsc.subcore_barrier()

        @pl.when(c == 0)
        def _():
            pltpu.sync_copy(acc_sh.at[pl.ds(s * rpt, rpt)], out0.at[pl.ds(s * rpt, rpt)])

        @pl.when(c == 1)
        def _():
            pltpu.sync_copy(acc_sh.at[pl.ds(s * rpt, rpt)], out1.at[pl.ds(s * rpt, rpt)])

    return deg_kernel


def _make_edge_kernel(npad, d, nchunk):
    mesh = plsc.VectorSubcoreMesh(
        core_axis_name="c", subcore_axis_name="s", num_cores=NC, num_subcores=NS
    )
    rpt = npad // NS

    @functools.partial(
        pl.kernel,
        out_type=[jax.ShapeDtypeStruct((npad, d), jnp.float32)] * NC,
        mesh=mesh,
        scratch_types=[
            pltpu.VMEM((nchunk, CH), jnp.int32),
            pltpu.VMEM((nchunk, CH), jnp.int32),
            pltpu.VMEM((CH, d), jnp.float32),
            pltpu.VMEM((CH, d), jnp.float32),
            pltpu.VMEM_SHARED((npad, d), jnp.float32),
            pltpu.SemaphoreType.DMA,
        ],
    )
    def edge_kernel(
        hs_hbm, src_hbm, dst_hbm, out0, out1, src_v, dst_v, rows0_v, rows1_v, acc_sh, sem
    ):
        c = lax.axis_index("c")
        s = lax.axis_index("s")
        w = c * NS + s

        _fill_loop(rows0_v, CH, d, 0.0)
        for kk in range(rpt // CH):
            pltpu.sync_copy(rows0_v, acc_sh.at[pl.ds(s * rpt + kk * CH, CH)])
        plsc.subcore_barrier()

        pltpu.sync_copy(src_hbm.at[w], src_v)
        pltpu.sync_copy(dst_hbm.at[w], dst_v)

        def body(j, _):
            pltpu.sync_copy(hs_hbm.at[src_v.at[j]], rows0_v)
            pltpu.sync_copy(rows0_v, acc_sh.at[dst_v.at[j]], add=True)
            return 0

        lax.fori_loop(0, nchunk, body, 0)
        plsc.subcore_barrier()

        @pl.when(c == 0)
        def _():
            pltpu.sync_copy(acc_sh.at[pl.ds(s * rpt, rpt)], out0.at[pl.ds(s * rpt, rpt)])

        @pl.when(c == 1)
        def _():
            pltpu.sync_copy(acc_sh.at[pl.ds(s * rpt, rpt)], out1.at[pl.ds(s * rpt, rpt)])

    return edge_kernel


def _dinv_block(d0, d1):
    deg = d0[:, :1] + d1[:, :1] + 1.0
    return lax.rsqrt(deg)


def _tc_scale_matmul(x_p, w, d0, d1, bl=1024):
    npad, d = x_p.shape

    def body(x_ref, w_ref, d0_ref, d1_ref, o_ref):
        dinv = _dinv_block(d0_ref[...], d1_ref[...])
        o_ref[...] = (
            jnp.dot(x_ref[...], w_ref[...], preferred_element_type=jnp.float32) * dinv
        )

    return pl.pallas_call(
        body,
        grid=(npad // bl,),
        in_specs=[
            pl.BlockSpec((bl, d), lambda i: (i, 0)),
            pl.BlockSpec((d, d), lambda i: (0, 0)),
            pl.BlockSpec((bl, G), lambda i: (i, 0)),
            pl.BlockSpec((bl, G), lambda i: (i, 0)),
        ],
        out_specs=pl.BlockSpec((bl, d), lambda i: (i, 0)),
        out_shape=jax.ShapeDtypeStruct((npad, d), jnp.float32),
    )(x_p, w, d0, d1)


def _tc_combine_matmul(a0, a1, hs, d0, d1, w, b, bl=1024):
    npad, d = hs.shape

    def body(a0_ref, a1_ref, hs_ref, d0_ref, d1_ref, w_ref, b_ref, o_ref):
        dinv = _dinv_block(d0_ref[...], d1_ref[...])
        t = jnp.maximum(
            dinv * (a0_ref[...] + a1_ref[...] + hs_ref[...]) + b_ref[...], 0.0
        )
        o_ref[...] = (
            jnp.dot(t, w_ref[...], preferred_element_type=jnp.float32) * dinv
        )

    return pl.pallas_call(
        body,
        grid=(npad // bl,),
        in_specs=[
            pl.BlockSpec((bl, d), lambda i: (i, 0)),
            pl.BlockSpec((bl, d), lambda i: (i, 0)),
            pl.BlockSpec((bl, d), lambda i: (i, 0)),
            pl.BlockSpec((bl, G), lambda i: (i, 0)),
            pl.BlockSpec((bl, G), lambda i: (i, 0)),
            pl.BlockSpec((d, d), lambda i: (0, 0)),
            pl.BlockSpec((1, d), lambda i: (0, 0)),
        ],
        out_specs=pl.BlockSpec((bl, d), lambda i: (i, 0)),
        out_shape=jax.ShapeDtypeStruct((npad, d), jnp.float32),
    )(a0, a1, hs, d0, d1, w, b)


def _tc_combine(a0, a1, hs, d0, d1, b, bl=1024):
    npad, d = hs.shape

    def body(a0_ref, a1_ref, hs_ref, d0_ref, d1_ref, b_ref, o_ref):
        dinv = _dinv_block(d0_ref[...], d1_ref[...])
        o_ref[...] = jnp.maximum(
            dinv * (a0_ref[...] + a1_ref[...] + hs_ref[...]) + b_ref[...], 0.0
        )

    return pl.pallas_call(
        body,
        grid=(npad // bl,),
        in_specs=[
            pl.BlockSpec((bl, d), lambda i: (i, 0)),
            pl.BlockSpec((bl, d), lambda i: (i, 0)),
            pl.BlockSpec((bl, d), lambda i: (i, 0)),
            pl.BlockSpec((bl, G), lambda i: (i, 0)),
            pl.BlockSpec((bl, G), lambda i: (i, 0)),
            pl.BlockSpec((1, d), lambda i: (0, 0)),
        ],
        out_specs=pl.BlockSpec((bl, d), lambda i: (i, 0)),
        out_shape=jax.ShapeDtypeStruct((npad, d), jnp.float32),
    )(a0, a1, hs, d0, d1, b)


def kernel(x, edge_index, W1, b1, W2, b2):
    n, d = x.shape
    e = edge_index.shape[1]
    nw = NC * NS

    npad = -(-(n + 1) // 2048) * 2048
    per_w = -(-e // (nw * 2 * CH)) * 2 * CH
    nchunk = per_w // CH
    e_pad = per_w * nw

    src = edge_index[0]
    dst = edge_index[1]
    pad = e_pad - e
    if pad:
        src = jnp.concatenate([src, jnp.zeros((pad,), jnp.int32)])
        dst = jnp.concatenate([dst, jnp.full((pad,), n, jnp.int32)])
    src_m = src.reshape(nw, nchunk, CH)
    dst_m = dst.reshape(nw, nchunk, CH)
    x_p = jnp.pad(x, ((0, npad - n), (0, 0)))
    b1r = b1.reshape(1, d)
    b2r = b2.reshape(1, d)

    d0, d1 = _make_deg_kernel(npad, nchunk)(dst_m)
    edge_k = _make_edge_kernel(npad, d, nchunk)

    hs1 = _tc_scale_matmul(x_p, W1, d0, d1)
    a0, a1 = edge_k(hs1, src_m, dst_m)
    hs2 = _tc_combine_matmul(a0, a1, hs1, d0, d1, W2, b1r)
    c0, c1 = edge_k(hs2, src_m, dst_m)
    out = _tc_combine(c0, c1, hs2, d0, d1, b2r)
    return out[:n]

# --- scband reference (transcript-rebuilt; emitter-appended) ---
"""Pipeline reference for scband-gnn-encoder-60567628808242 (READ-ONLY COPY).

The authoritative reference and input builder live on the scoring server;
editing this copy changes nothing except your own understanding.
"""

import jax, jax.numpy as jnp
import numpy as np

N = 10000
E = 320000
D = 128


def setup_inputs(seed: int = 0) -> dict:
    key = jax.random.key(seed)
    k1, k2, k3, k4 = jax.random.split(key, 4)
    x = jax.random.normal(k1, (N, D), dtype=jnp.float32)
    edge_index = jax.random.randint(k2, (2, E), 0, N, dtype=jnp.int32)
    # Learned parameters: two GCN layers (glorot-ish init like PyG)
    W1 = jax.random.normal(k3, (D, D), dtype=jnp.float32) * (1.0 / np.sqrt(D))
    b1 = jnp.zeros((D,), dtype=jnp.float32)
    W2 = jax.random.normal(k4, (D, D), dtype=jnp.float32) * (1.0 / np.sqrt(D))
    b2 = jnp.zeros((D,), dtype=jnp.float32)
    return {"x": x, "edge_index": edge_index, "W1": W1, "b1": b1, "W2": W2, "b2": b2}


def _gcn_layer(x, src, dst, W, b, n):
    # x' = D^{-1/2} (A + I) D^{-1/2} X W + b  (PyG GCNConv with add_self_loops)
    h = x @ W
    loop = jnp.arange(n, dtype=src.dtype)
    s = jnp.concatenate([src, loop])
    d = jnp.concatenate([dst, loop])
    deg = jnp.zeros((n,), dtype=h.dtype).at[d].add(1.0)
    dinv = jnp.where(deg > 0, 1.0 / jnp.sqrt(deg), 0.0)
    norm = dinv[s] * dinv[d]
    msg = h[s] * norm[:, None]
    out = jnp.zeros((n, h.shape[1]), dtype=h.dtype).at[d].add(msg)
    return out + b


def reference(x, edge_index, W1, b1, W2, b2):
    src = edge_index[0]
    dst = edge_index[1]
    n = x.shape[0]
    h = _gcn_layer(x, src, dst, W1, b1, n)
    h = jax.nn.relu(h)
    h = _gcn_layer(h, src, dst, W2, b2, n)
    h = jax.nn.relu(h)
    return h

if __name__ == "__main__":
    import jax
    _d = setup_inputs()
    print(jax.jit(kernel)(*tuple(_d.values())))

</pallas_src>

<mosaic_0001>
#map = affine_map<(d0, d1) -> (0, 0, 0)>
#map1 = affine_map<(d0, d1) -> (0, 0)>
module attributes {stable_mosaic.version = 14 : i64} {
  func.func @deg_kernel(%arg0: i32, %arg1: i32, %arg2: memref<32x80x128xi32, #tpu.memory_space<hbm>>, %arg3: memref<10240x16xf32, #tpu.memory_space<hbm>>, %arg4: memref<10240x16xf32, #tpu.memory_space<hbm>>, %arg5: memref<80x128xi32, #tpu.memory_space<vmem>>, %arg6: memref<128x16xf32, #tpu.memory_space<vmem>>, %arg7: memref<10240x16xf32, #tpu.memory_space<vmem_shared>>) attributes {dimension_semantics = [#tpu.dimension_semantics<core_parallel>, #tpu.dimension_semantics<subcore_parallel>], iteration_bounds = array<i64: 2, 16>, scalar_prefetch = 0 : i64, scratch_operands = 3 : i64, tpu.core_type = #tpu.core_type<sc_vector_subcore>, window_params = [{transform_indices = #map}, {transform_indices = #map1}, {transform_indices = #map1}]} {
    %mul3A = arith.constant 16 : i32
    %mul3A_0 = arith.muli %arg0, %mul3A : i32
    %add3A = arith.addi %mul3A_0, %arg1 : i32
    %broadcast_in_dim3A = arith.constant 0.000000e+00 : f32
    %broadcast_in_dim3A_1 = vector.broadcast %broadcast_in_dim3A : f32 to vector<16xf32>
    %scan3A = arith.constant 0 : i32
    %scan3A_2 = arith.constant 0 : i32
    %scan3A_3 = arith.constant 128 : i32
    %scan3A_4 = arith.addi %scan3A_2, %scan3A_3 : i32
    %scan3A_5 = arith.constant 1 : i32
    %scan3A_6 = scf.for %scan3A_52 = %scan3A_2 to %scan3A_4 step %scan3A_5 iter_args(%scan3A_53 = %scan3A) -> (i32)  : i32 {
      %jit3A = arith.constant 1 : i32
      %div3A = arith.divsi %scan3A_52, %jit3A : i32
      %sign3A = arith.constant 0 : i32
      %sign3A_54 = arith.cmpi sgt, %scan3A_52, %sign3A : i32
      %sign3A_55 = arith.extui %sign3A_54 : i1 to i32
      %sign3A_56 = arith.constant 0 : i32
      %sign3A_57 = arith.cmpi slt, %scan3A_52, %sign3A_56 : i32
      %sign3A_58 = arith.extui %sign3A_57 : i1 to i32
      %sign3A_59 = arith.subi %sign3A_55, %sign3A_58 : i32
      %sign3A_60 = arith.constant 0 : i32
      %sign3A_61 = arith.cmpi sgt, %jit3A, %sign3A_60 : i32
      %sign3A_62 = arith.extui %sign3A_61 : i1 to i32
      %sign3A_63 = arith.constant 0 : i32
      %sign3A_64 = arith.cmpi slt, %jit3A, %sign3A_63 : i32
      %sign3A_65 = arith.extui %sign3A_64 : i1 to i32
      %sign3A_66 = arith.subi %sign3A_62, %sign3A_65 : i32
      %ne3A = arith.cmpi ne, %sign3A_59, %sign3A_66 : i32
      %rem3A = arith.remsi %scan3A_52, %jit3A : i32
      %ne3A_67 = arith.constant 0 : i32
      %ne3A_68 = arith.cmpi ne, %rem3A, %ne3A_67 : i32
      %and3A = arith.andi %ne3A, %ne3A_68 : i1
      %sub3A = arith.constant 1 : i32
      %sub3A_69 = arith.subi %div3A, %sub3A : i32
      %select_n3A = arith.select %and3A, %sub3A_69, %div3A : i32
      %jit3A_70 = arith.constant 1 : i32
      %eq3A_71 = arith.constant 0 : i32
      %eq3A_72 = arith.cmpi eq, %jit3A_70, %eq3A_71 : i32
      %jit3A_73 = arith.constant 1 : i32
      %select_n3A_74 = arith.select %eq3A_72, %jit3A_73, %jit3A_70 : i32
      %rem3A_75 = arith.remsi %scan3A_52, %select_n3A_74 : i32
      %ne3A_76 = arith.constant 0 : i32
      %ne3A_77 = arith.cmpi ne, %rem3A_75, %ne3A_76 : i32
      %lt3A = arith.constant 0 : i32
      %lt3A_78 = arith.cmpi slt, %rem3A_75, %lt3A : i32
      %lt3A_79 = arith.constant 0 : i32
      %lt3A_80 = arith.cmpi slt, %select_n3A_74, %lt3A_79 : i32
      %ne3A_81 = arith.xori %lt3A_78, %lt3A_80 : i1
      %and3A_82 = arith.andi %ne3A_81, %ne3A_77 : i1
      %add3A_83 = arith.addi %rem3A_75, %select_n3A_74 : i32
      %select_n3A_84 = arith.select %and3A_82, %add3A_83, %rem3A_75 : i32
      %mul3A_85 = arith.constant 16 : i32
      %mul3A_86 = arith.muli %select_n3A_84, %mul3A_85 : i32
      %swap3A = arith.index_cast %select_n3A : i32 to index
      %swap3A_87 = arith.index_cast %mul3A_86 : i32 to index
      %swap3A_88 = tpu.vector_load %arg6[%swap3A, %swap3A_87] {strides = array<i32>} : memref<128x16xf32, #tpu.memory_space<vmem>>, vector<1x16xf32>,
      %swap3A_89 = vector.shape_cast %swap3A_88 : vector<1x16xf32> to vector<16xf32>
      %swap3A_90 = vector.shape_cast %broadcast_in_dim3A_1 : vector<16xf32> to vector<1x16xf32>
      tpu.vector_store %arg6[%swap3A, %swap3A_87], %swap3A_90 {strides = array<i32>} : memref<128x16xf32, #tpu.memory_space<vmem>>, vector<1x16xf32>,
      %scan3A_91 = arith.constant 0 : i32
      scf.yield %scan3A_91 : i32
    }
    %scan3A_7 = arith.constant 128 : i32
    %mul3A_8 = arith.constant 640 : i32
    %mul3A_9 = arith.muli %arg1, %mul3A_8 : i32
    %add3A_10 = arith.constant 0 : i32
    %add3A_11 = arith.addi %mul3A_9, %add3A_10 : i32
    "tpu.region"() ({
      %run_scoped3A = tpu.sem_alloc : memref<!tpu.dma_semaphore, #tpu.memory_space<semaphore_mem>>
      %dma_start3A = arith.constant 0 : i32
      %dma_start3A_52 = tpu.memref_slice %arg7[%add3A_11, %dma_start3A] : memref<10240x16xf32, #tpu.memory_space<vmem_shared>> -> memref<128x16xf32, #tpu.memory_space<vmem_shared>>
      %dma_start3A_53 = arith.constant 0 : i32
      %dma_start3A_54 = tpu.memref_slice %arg7[%add3A_11, %dma_start3A_53] : memref<10240x16xf32, #tpu.memory_space<vmem_shared>> -> memref<128x16xf32, #tpu.memory_space<vmem_shared>>
      tpu.enqueue_dma source(%arg6 : memref<128x16xf32, #tpu.memory_space<vmem>>) target(%dma_start3A_54 : memref<128x16xf32, #tpu.memory_space<vmem_shared>>) target_semaphore(%run_scoped3A : memref<!tpu.dma_semaphore, #tpu.memory_space<semaphore_mem>>)
      %dma_wait3A = arith.constant 0 : i32
      %dma_wait3A_55 = tpu.memref_slice %arg7[%add3A_11, %dma_wait3A] : memref<10240x16xf32, #tpu.memory_space<vmem_shared>> -> memref<128x16xf32, #tpu.memory_space<vmem_shared>>
      %dma_wait3A_56 = arith.constant 0 : i32
      %dma_wait3A_57 = tpu.memref_slice %arg7[%add3A_11, %dma_wait3A_56] : memref<10240x16xf32, #tpu.memory_space<vmem_shared>> -> memref<128x16xf32, #tpu.memory_space<vmem_shared>>
      tpu.wait_dma2 semaphore(%run_scoped3A : memref<!tpu.dma_semaphore, #tpu.memory_space<semaphore_mem>>) src(%arg6 : memref<128x16xf32, #tpu.memory_space<vmem>>) dst(%dma_wait3A_57 : memref<128x16xf32, #tpu.memory_space<vmem_shared>>)
      tpu.yield
    }) : () -> ()
    %mul3A_12 = arith.constant 640 : i32
    %mul3A_13 = arith.muli %arg1, %mul3A_12 : i32
    %add3A_14 = arith.constant 128 : i32
    %add3A_15 = arith.addi %mul3A_13, %add3A_14 : i32
    "tpu.region"() ({
      %run_scoped3A = tpu.sem_alloc : memref<!tpu.dma_semaphore, #tpu.memory_space<semaphore_mem>>
      %dma_start3A = arith.constant 0 : i32
      %dma_start3A_52 = tpu.memref_slice %arg7[%add3A_15, %dma_start3A] : memref<10240x16xf32, #tpu.memory_space<vmem_shared>> -> memref<128x16xf32, #tpu.memory_space<vmem_shared>>
      %dma_start3A_53 = arith.constant 0 : i32
      %dma_start3A_54 = tpu.memref_slice %arg7[%add3A_15, %dma_start3A_53] : memref<10240x16xf32, #tpu.memory_space<vmem_shared>> -> memref<128x16xf32, #tpu.memory_space<vmem_shared>>
      tpu.enqueue_dma source(%arg6 : memref<128x16xf32, #tpu.memory_space<vmem>>) target(%dma_start3A_54 : memref<128x16xf32, #tpu.memory_space<vmem_shared>>) target_semaphore(%run_scoped3A : memref<!tpu.dma_semaphore, #tpu.memory_space<semaphore_mem>>)
      %dma_wait3A = arith.constant 0 : i32
      %dma_wait3A_55 = tpu.memref_slice %arg7[%add3A_15, %dma_wait3A] : memref<10240x16xf32, #tpu.memory_space<vmem_shared>> -> memref<128x16xf32, #tpu.memory_space<vmem_shared>>
      %dma_wait3A_56 = arith.constant 0 : i32
      %dma_wait3A_57 = tpu.memref_slice %arg7[%add3A_15, %dma_wait3A_56] : memref<10240x16xf32, #tpu.memory_space<vmem_shared>> -> memref<128x16xf32, #tpu.memory_space<vmem_shared>>
      tpu.wait_dma2 semaphore(%run_scoped3A : memref<!tpu.dma_semaphore, #tpu.memory_space<semaphore_mem>>) src(%arg6 : memref<128x16xf32, #tpu.memory_space<vmem>>) dst(%dma_wait3A_57 : memref<128x16xf32, #tpu.memory_space<vmem_shared>>)
      tpu.yield
    }) : () -> ()
    %mul3A_16 = arith.constant 640 : i32
    %mul3A_17 = arith.muli %arg1, %mul3A_16 : i32
    %add3A_18 = arith.constant 256 : i32
    %add3A_19 = arith.addi %mul3A_17, %add3A_18 : i32
    "tpu.region"() ({
      %run_scoped3A = tpu.sem_alloc : memref<!tpu.dma_semaphore, #tpu.memory_space<semaphore_mem>>
      %dma_start3A = arith.constant 0 : i32
      %dma_start3A_52 = tpu.memref_slice %arg7[%add3A_19, %dma_start3A] : memref<10240x16xf32, #tpu.memory_space<vmem_shared>> -> memref<128x16xf32, #tpu.memory_space<vmem_shared>>
      %dma_start3A_53 = arith.constant 0 : i32
      %dma_start3A_54 = tpu.memref_slice %arg7[%add3A_19, %dma_start3A_53] : memref<10240x16xf32, #tpu.memory_space<vmem_shared>> -> memref<128x16xf32, #tpu.memory_space<vmem_shared>>
      tpu.enqueue_dma source(%arg6 : memref<128x16xf32, #tpu.memory_space<vmem>>) target(%dma_start3A_54 : memref<128x16xf32, #tpu.memory_space<vmem_shared>>) target_semaphore(%run_scoped3A : memref<!tpu.dma_semaphore, #tpu.memory_space<semaphore_mem>>)
      %dma_wait3A = arith.constant 0 : i32
      %dma_wait3A_55 = tpu.memref_slice %arg7[%add3A_19, %dma_wait3A] : memref<10240x16xf32, #tpu.memory_space<vmem_shared>> -> memref<128x16xf32, #tpu.memory_space<vmem_shared>>
      %dma_wait3A_56 = arith.constant 0 : i32
      %dma_wait3A_57 = tpu.memref_slice %arg7[%add3A_19, %dma_wait3A_56] : memref<10240x16xf32, #tpu.memory_space<vmem_shared>> -> memref<128x16xf32, #tpu.memory_space<vmem_shared>>
      tpu.wait_dma2 semaphore(%run_scoped3A : memref<!tpu.dma_semaphore, #tpu.memory_space<semaphore_mem>>) src(%arg6 : memref<128x16xf32, #tpu.memory_space<vmem>>) dst(%dma_wait3A_57 : memref<128x16xf32, #tpu.memory_space<vmem_shared>>)
      tpu.yield
    }) : () -> ()
    %mul3A_20 = arith.constant 640 : i32
    %mul3A_21 = arith.muli %arg1, %mul3A_20 : i32
    %add3A_22 = arith.constant 384 : i32
    %add3A_23 = arith.addi %mul3A_21, %add3A_22 : i32
    "tpu.region"() ({
      %run_scoped3A = tpu.sem_alloc : memref<!tpu.dma_semaphore, #tpu.memory_space<semaphore_mem>>
      %dma_start3A = arith.constant 0 : i32
      %dma_start3A_52 = tpu.memref_slice %arg7[%add3A_23, %dma_start3A] : memref<10240x16xf32, #tpu.memory_space<vmem_shared>> -> memref<128x16xf32, #tpu.memory_space<vmem_shared>>
      %dma_start3A_53 = arith.constant 0 : i32
      %dma_start3A_54 = tpu.memref_slice %arg7[%add3A_23, %dma_start3A_53] : memref<10240x16xf32, #tpu.memory_space<vmem_shared>> -> memref<128x16xf32, #tpu.memory_space<vmem_shared>>
      tpu.enqueue_dma source(%arg6 : memref<128x16xf32, #tpu.memory_space<vmem>>) target(%dma_start3A_54 : memref<128x16xf32, #tpu.memory_space<vmem_shared>>) target_semaphore(%run_scoped3A : memref<!tpu.dma_semaphore, #tpu.memory_space<semaphore_mem>>)
      %dma_wait3A = arith.constant 0 : i32
      %dma_wait3A_55 = tpu.memref_slice %arg7[%add3A_23, %dma_wait3A] : memref<10240x16xf32, #tpu.memory_space<vmem_shared>> -> memref<128x16xf32, #tpu.memory_space<vmem_shared>>
      %dma_wait3A_56 = arith.constant 0 : i32
      %dma_wait3A_57 = tpu.memref_slice %arg7[%add3A_23, %dma_wait3A_56] : memref<10240x16xf32, #tpu.memory_space<vmem_shared>> -> memref<128x16xf32, #tpu.memory_space<vmem_shared>>
      tpu.wait_dma2 semaphore(%run_scoped3A : memref<!tpu.dma_semaphore, #tpu.memory_space<semaphore_mem>>) src(%arg6 : memref<128x16xf32, #tpu.memory_space<vmem>>) dst(%dma_wait3A_57 : memref<128x16xf32, #tpu.memory_space<vmem_shared>>)
      tpu.yield
    }) : () -> ()
    %mul3A_24 = arith.constant 640 : i32
    %mul3A_25 = arith.muli %arg1, %mul3A_24 : i32
    %add3A_26 = arith.constant 512 : i32
    %add3A_27 = arith.addi %mul3A_25, %add3A_26 : i32
    "tpu.region"() ({
      %run_scoped3A = tpu.sem_alloc : memref<!tpu.dma_semaphore, #tpu.memory_space<semaphore_mem>>
      %dma_start3A = arith.constant 0 : i32
      %dma_start3A_52 = tpu.memref_slice %arg7[%add3A_27, %dma_start3A] : memref<10240x16xf32, #tpu.memory_space<vmem_shared>> -> memref<128x16xf32, #tpu.memory_space<vmem_shared>>
      %dma_start3A_53 = arith.constant 0 : i32
      %dma_start3A_54 = tpu.memref_slice %arg7[%add3A_27, %dma_start3A_53] : memref<10240x16xf32, #tpu.memory_space<vmem_shared>> -> memref<128x16xf32, #tpu.memory_space<vmem_shared>>
      tpu.enqueue_dma source(%arg6 : memref<128x16xf32, #tpu.memory_space<vmem>>) target(%dma_start3A_54 : memref<128x16xf32, #tpu.memory_space<vmem_shared>>) target_semaphore(%run_scoped3A : memref<!tpu.dma_semaphore, #tpu.memory_space<semaphore_mem>>)
      %dma_wait3A = arith.constant 0 : i32
      %dma_wait3A_55 = tpu.memref_slice %arg7[%add3A_27, %dma_wait3A] : memref<10240x16xf32, #tpu.memory_space<vmem_shared>> -> memref<128x16xf32, #tpu.memory_space<vmem_shared>>
      %dma_wait3A_56 = arith.constant 0 : i32
      %dma_wait3A_57 = tpu.memref_slice %arg7[%add3A_27, %dma_wait3A_56] : memref<10240x16xf32, #tpu.memory_space<vmem_shared>> -> memref<128x16xf32, #tpu.memory_space<vmem_shared>>
      tpu.wait_dma2 semaphore(%run_scoped3A : memref<!tpu.dma_semaphore, #tpu.memory_space<semaphore_mem>>) src(%arg6 : memref<128x16xf32, #tpu.memory_space<vmem>>) dst(%dma_wait3A_57 : memref<128x16xf32, #tpu.memory_space<vmem_shared>>)
      tpu.yield
    }) : () -> ()
    %barrier3A = arith.constant 0 : index
    tpu.barrier barrier_id(%barrier3A)
    %broadcast_in_dim3A_28 = arith.constant 1.000000e+00 : f32
    %broadcast_in_dim3A_29 = vector.broadcast %broadcast_in_dim3A_28 : f32 to vector<16xf32>
    %scan3A_30 = arith.constant 0 : i32
    %scan3A_31 = arith.constant 0 : i32
    %scan3A_32 = arith.constant 128 : i32
    %scan3A_33 = arith.addi %scan3A_31, %scan3A_32 : i32
    %scan3A_34 = arith.constant 1 : i32
    %scan3A_35 = scf.for %scan3A_52 = %scan3A_31 to %scan3A_33 step %scan3A_34 iter_args(%scan3A_53 = %scan3A_30) -> (i32)  : i32 {
      %jit3A = arith.constant 1 : i32
      %div3A = arith.divsi %scan3A_52, %jit3A : i32
      %sign3A = arith.constant 0 : i32
      %sign3A_54 = arith.cmpi sgt, %scan3A_52, %sign3A : i32
      %sign3A_55 = arith.extui %sign3A_54 : i1 to i32
      %sign3A_56 = arith.constant 0 : i32
      %sign3A_57 = arith.cmpi slt, %scan3A_52, %sign3A_56 : i32
      %sign3A_58 = arith.extui %sign3A_57 : i1 to i32
      %sign3A_59 = arith.subi %sign3A_55, %sign3A_58 : i32
      %sign3A_60 = arith.constant 0 : i32
      %sign3A_61 = arith.cmpi sgt, %jit3A, %sign3A_60 : i32
      %sign3A_62 = arith.extui %sign3A_61 : i1 to i32
      %sign3A_63 = arith.constant 0 : i32
      %sign3A_64 = arith.cmpi slt, %jit3A, %sign3A_63 : i32
      %sign3A_65 = arith.extui %sign3A_64 : i1 to i32
      %sign3A_66 = arith.subi %sign3A_62, %sign3A_65 : i32
      %ne3A = arith.cmpi ne, %sign3A_59, %sign3A_66 : i32
      %rem3A = arith.remsi %scan3A_52, %jit3A : i32
      %ne3A_67 = arith.constant 0 : i32
      %ne3A_68 = arith.cmpi ne, %rem3A, %ne3A_67 : i32
      %and3A = arith.andi %ne3A, %ne3A_68 : i1
      %sub3A = arith.constant 1 : i32
      %sub3A_69 = arith.subi %div3A, %sub3A : i32
      %select_n3A = arith.select %and3A, %sub3A_69, %div3A : i32
      %jit3A_70 = arith.constant 1 : i32
      %eq3A_71 = arith.constant 0 : i32
      %eq3A_72 = arith.cmpi eq, %jit3A_70, %eq3A_71 : i32
      %jit3A_73 = arith.constant 1 : i32
      %select_n3A_74 = arith.select %eq3A_72, %jit3A_73, %jit3A_70 : i32
      %rem3A_75 = arith.remsi %scan3A_52, %select_n3A_74 : i32
      %ne3A_76 = arith.constant 0 : i32
      %ne3A_77 = arith.cmpi ne, %rem3A_75, %ne3A_76 : i32
      %lt3A = arith.constant 0 : i32
      %lt3A_78 = arith.cmpi slt, %rem3A_75, %lt3A : i32
      %lt3A_79 = arith.constant 0 : i32
      %lt3A_80 = arith.cmpi slt, %select_n3A_74, %lt3A_79 : i32
      %ne3A_81 = arith.xori %lt3A_78, %lt3A_80 : i1
      %and3A_82 = arith.andi %ne3A_81, %ne3A_77 : i1
      %add3A_83 = arith.addi %rem3A_75, %select_n3A_74 : i32
      %select_n3A_84 = arith.select %and3A_82, %add3A_83, %rem3A_75 : i32
      %mul3A_85 = arith.constant 16 : i32
      %mul3A_86 = arith.muli %select_n3A_84, %mul3A_85 : i32
      %swap3A = arith.index_cast %select_n3A : i32 to index
      %swap3A_87 = arith.index_cast %mul3A_86 : i32 to index
      %swap3A_88 = tpu.vector_load %arg6[%swap3A, %swap3A_87] {strides = array<i32>} : memref<128x16xf32, #tpu.memory_space<vmem>>, vector<1x16xf32>,
      %swap3A_89 = vector.shape_cast %swap3A_88 : vector<1x16xf32> to vector<16xf32>
      %swap3A_90 = vector.shape_cast %broadcast_in_dim3A_29 : vector<16xf32> to vector<1x16xf32>
      tpu.vector_store %arg6[%swap3A, %swap3A_87], %swap3A_90 {strides = array<i32>} : memref<128x16xf32, #tpu.memory_space<vmem>>, vector<1x16xf32>,
      %scan3A_91 = arith.constant 0 : i32
      scf.yield %scan3A_91 : i32
    }
    %scan3A_36 = arith.constant 128 : i32
    "tpu.region"() ({
      %run_scoped3A = tpu.sem_alloc : memref<!tpu.dma_semaphore, #tpu.memory_space<semaphore_mem>>
      %dma_start3A = arith.constant 0 : i32
      %dma_start3A_52 = arith.constant 0 : i32
      %dma_start3A_53 = tpu.memref_slice %arg2[%add3A, %dma_start3A, %dma_start3A_52] : memref<32x80x128xi32, #tpu.memory_space<hbm>> -> memref<1x80x128xi32, #tpu.memory_space<hbm>>
      %dma_start3A_54 = tpu.memref_squeeze %dma_start3A_53 : memref<1x80x128xi32, #tpu.memory_space<hbm>> -> memref<80x128xi32, #tpu.memory_space<hbm>>
      %dma_start3A_55 = arith.constant 0 : i32
      %dma_start3A_56 = arith.constant 0 : i32
      %dma_start3A_57 = tpu.memref_slice %arg2[%add3A, %dma_start3A_55, %dma_start3A_56] : memref<32x80x128xi32, #tpu.memory_space<hbm>> -> memref<1x80x128xi32, #tpu.memory_space<hbm>>
      %dma_start3A_58 = tpu.memref_squeeze %dma_start3A_57 : memref<1x80x128xi32, #tpu.memory_space<hbm>> -> memref<80x128xi32, #tpu.memory_space<hbm>>
      tpu.enqueue_dma source(%dma_start3A_58 : memref<80x128xi32, #tpu.memory_space<hbm>>) target(%arg5 : memref<80x128xi32, #tpu.memory_space<vmem>>) target_semaphore(%run_scoped3A : memref<!tpu.dma_semaphore, #tpu.memory_space<semaphore_mem>>)
      %dma_wait3A = arith.constant 0 : i32
      %dma_wait3A_59 = arith.constant 0 : i32
      %dma_wait3A_60 = tpu.memref_slice %arg2[%add3A, %dma_wait3A, %dma_wait3A_59] : memref<32x80x128xi32, #tpu.memory_space<hbm>> -> memref<1x80x128xi32, #tpu.memory_space<hbm>>
      %dma_wait3A_61 = tpu.memref_squeeze %dma_wait3A_60 : memref<1x80x128xi32, #tpu.memory_space<hbm>> -> memref<80x128xi32, #tpu.memory_space<hbm>>
      %dma_wait3A_62 = arith.constant 0 : i32
      %dma_wait3A_63 = arith.constant 0 : i32
      %dma_wait3A_64 = tpu.memref_slice %arg2[%add3A, %dma_wait3A_62, %dma_wait3A_63] : memref<32x80x128xi32, #tpu.memory_space<hbm>> -> memref<1x80x128xi32, #tpu.memory_space<hbm>>
      %dma_wait3A_65 = tpu.memref_squeeze %dma_wait3A_64 : memref<1x80x128xi32, #tpu.memory_space<hbm>> -> memref<80x128xi32, #tpu.memory_space<hbm>>
      tpu.wait_dma2 semaphore(%run_scoped3A : memref<!tpu.dma_semaphore, #tpu.memory_space<semaphore_mem>>) src(%dma_wait3A_65 : memref<80x128xi32, #tpu.memory_space<hbm>>) dst(%arg5 : memref<80x128xi32, #tpu.memory_space<vmem>>)
      tpu.yield
    }) : () -> ()
    %scan3A_37 = arith.constant 0 : i32
    %scan3A_38 = arith.constant 0 : i32
    %scan3A_39 = arith.constant 80 : i32
    %scan3A_40 = arith.addi %scan3A_38, %scan3A_39 : i32
    %scan3A_41 = arith.constant 1 : i32
    %scan3A_42 = scf.for %scan3A_52 = %scan3A_38 to %scan3A_40 step %scan3A_41 iter_args(%scan3A_53 = %scan3A_37) -> (i32)  : i32 {
      "tpu.region"() ({
        %run_scoped3A = tpu.sem_alloc : memref<!tpu.dma_semaphore, #tpu.memory_space<semaphore_mem>>
        %dma_start3A = arith.constant 0 : i32
        %dma_start3A_55 = tpu.memref_slice %arg5[%scan3A_52, %dma_start3A] : memref<80x128xi32, #tpu.memory_space<vmem>> -> memref<1x128xi32, #tpu.memory_space<vmem>>
        %dma_start3A_56 = tpu.memref_squeeze %dma_start3A_55 : memref<1x128xi32, #tpu.memory_space<vmem>> -> memref<128xi32, #tpu.memory_space<vmem>>
        %dma_start3A_57 = arith.constant 0 : i32
        %dma_start3A_58 = arith.constant 0 : i32
        %dma_start3A_59 = tpu.memref_slice %arg7[%dma_start3A_57, %dma_start3A_58] : memref<10240x16xf32, #tpu.memory_space<vmem_shared>> -> memref<10240x16xf32, #tpu.memory_space<vmem_shared>>
        tpu.enqueue_indirect_dma source(%arg6 : memref<128x16xf32, #tpu.memory_space<vmem>>) target(%dma_start3A_59 : memref<10240x16xf32, #tpu.memory_space<vmem_shared>>) offsets(%dma_start3A_56 : memref<128xi32, #tpu.memory_space<vmem>>) semaphore(%run_scoped3A : memref<!tpu.dma_semaphore, #tpu.memory_space<semaphore_mem>>) {add = true}
        %dma_wait3A = arith.constant 0 : i32
        %dma_wait3A_60 = tpu.memref_slice %arg5[%scan3A_52, %dma_wait3A] : memref<80x128xi32, #tpu.memory_space<vmem>> -> memref<1x128xi32, #tpu.memory_space<vmem>>
        %dma_wait3A_61 = tpu.memref_squeeze %dma_wait3A_60 : memref<1x128xi32, #tpu.memory_space<vmem>> -> memref<128xi32, #tpu.memory_space<vmem>>
        %dma_wait3A_62 = arith.constant 0 : i32
        %dma_wait3A_63 = arith.constant 0 : i32
        %dma_wait3A_64 = tpu.memref_slice %arg7[%dma_wait3A_62, %dma_wait3A_63] : memref<10240x16xf32, #tpu.memory_space<vmem_shared>> -> memref<10240x16xf32, #tpu.memory_space<vmem_shared>>
        tpu.wait_indirect_dma semaphore(%run_scoped3A : memref<!tpu.dma_semaphore, #tpu.memory_space<semaphore_mem>>) src(%arg6 : memref<128x16xf32, #tpu.memory_space<vmem>>) dst(%dma_wait3A_64 : memref<10240x16xf32, #tpu.memory_space<vmem_shared>>)
        tpu.yield
      }) : () -> ()
      %scan3A_54 = arith.constant 0 : i32
      scf.yield %scan3A_54 : i32
    }
    %scan3A_43 = arith.constant 80 : i32
    %barrier3A_44 = arith.constant 0 : index
    tpu.barrier barrier_id(%barrier3A_44)
    %eq3A = arith.constant 0 : i32
    %eq3A_45 = arith.cmpi eq, %arg0, %eq3A : i32
    %convert_element_type3A = arith.extui %eq3A_45 : i1 to i32
    %cond3A = arith.constant 0 : i32
    %cond3A_46 = arith.cmpi ne, %convert_element_type3A, %cond3A : i32
    scf.if %cond3A_46 {
      %mul3A_52 = arith.constant 640 : i32
      %mul3A_53 = arith.muli %arg1, %mul3A_52 : i32
      %mul3A_54 = arith.constant 640 : i32
      %mul3A_55 = arith.muli %arg1, %mul3A_54 : i32
      "tpu.region"() ({
        %run_scoped3A = tpu.sem_alloc : memref<!tpu.dma_semaphore, #tpu.memory_space<semaphore_mem>>
        %dma_start3A = arith.constant 0 : i32
        %dma_start3A_56 = tpu.memref_slice %arg3[%mul3A_55, %dma_start3A] : memref<10240x16xf32, #tpu.memory_space<hbm>> -> memref<640x16xf32, #tpu.memory_space<hbm>>
        %dma_start3A_57 = arith.constant 0 : i32
        %dma_start3A_58 = tpu.memref_slice %arg7[%mul3A_53, %dma_start3A_57] : memref<10240x16xf32, #tpu.memory_space<vmem_shared>> -> memref<640x16xf32, #tpu.memory_space<vmem_shared>>
        tpu.enqueue_dma source(%dma_start3A_58 : memref<640x16xf32, #tpu.memory_space<vmem_shared>>) target(%dma_start3A_56 : memref<640x16xf32, #tpu.memory_space<hbm>>) target_semaphore(%run_scoped3A : memref<!tpu.dma_semaphore, #tpu.memory_space<semaphore_mem>>)
        %dma_wait3A = arith.constant 0 : i32
        %dma_wait3A_59 = tpu.memref_slice %arg3[%mul3A_55, %dma_wait3A] : memref<10240x16xf32, #tpu.memory_space<hbm>> -> memref<640x16xf32, #tpu.memory_space<hbm>>
        %dma_wait3A_60 = arith.constant 0 : i32
        %dma_wait3A_61 = tpu.memref_slice %arg7[%mul3A_53, %dma_wait3A_60] : memref<10240x16xf32, #tpu.memory_space<vmem_shared>> -> memref<640x16xf32, #tpu.memory_space<vmem_shared>>
        tpu.wait_dma2 semaphore(%run_scoped3A : memref<!tpu.dma_semaphore, #tpu.memory_space<semaphore_mem>>) src(%dma_wait3A_61 : memref<640x16xf32, #tpu.memory_space<vmem_shared>>) dst(%dma_wait3A_59 : memref<640x16xf32, #tpu.memory_space<hbm>>)
        tpu.yield
      }) : () -> ()
    } else {
    }
    %eq3A_47 = arith.constant 1 : i32
    %eq3A_48 = arith.cmpi eq, %arg0, %eq3A_47 : i32
    %convert_element_type3A_49 = arith.extui %eq3A_48 : i1 to i32
    %cond3A_50 = arith.constant 0 : i32
    %cond3A_51 = arith.cmpi ne, %convert_element_type3A_49, %cond3A_50 : i32
    scf.if %cond3A_51 {
      %mul3A_52 = arith.constant 640 : i32
      %mul3A_53 = arith.muli %arg1, %mul3A_52 : i32
      %mul3A_54 = arith.constant 640 : i32
      %mul3A_55 = arith.muli %arg1, %mul3A_54 : i32
      "tpu.region"() ({
        %run_scoped3A = tpu.sem_alloc : memref<!tpu.dma_semaphore, #tpu.memory_space<semaphore_mem>>
        %dma_start3A = arith.constant 0 : i32
        %dma_start3A_56 = tpu.memref_slice %arg4[%mul3A_55, %dma_start3A] : memref<10240x16xf32, #tpu.memory_space<hbm>> -> memref<640x16xf32, #tpu.memory_space<hbm>>
        %dma_start3A_57 = arith.constant 0 : i32
        %dma_start3A_58 = tpu.memref_slice %arg7[%mul3A_53, %dma_start3A_57] : memref<10240x16xf32, #tpu.memory_space<vmem_shared>> -> memref<640x16xf32, #tpu.memory_space<vmem_shared>>
        tpu.enqueue_dma source(%dma_start3A_58 : memref<640x16xf32, #tpu.memory_space<vmem_shared>>) target(%dma_start3A_56 : memref<640x16xf32, #tpu.memory_space<hbm>>) target_semaphore(%run_scoped3A : memref<!tpu.dma_semaphore, #tpu.memory_space<semaphore_mem>>)
        %dma_wait3A = arith.constant 0 : i32
        %dma_wait3A_59 = tpu.memref_slice %arg4[%mul3A_55, %dma_wait3A] : memref<10240x16xf32, #tpu.memory_space<hbm>> -> memref<640x16xf32, #tpu.memory_space<hbm>>
        %dma_wait3A_60 = arith.constant 0 : i32
        %dma_wait3A_61 = tpu.memref_slice %arg7[%mul3A_53, %dma_wait3A_60] : memref<10240x16xf32, #tpu.memory_space<vmem_shared>> -> memref<640x16xf32, #tpu.memory_space<vmem_shared>>
        tpu.wait_dma2 semaphore(%run_scoped3A : memref<!tpu.dma_semaphore, #tpu.memory_space<semaphore_mem>>) src(%dma_wait3A_61 : memref<640x16xf32, #tpu.memory_space<vmem_shared>>) dst(%dma_wait3A_59 : memref<640x16xf32, #tpu.memory_space<hbm>>)
        tpu.yield
      }) : () -> ()
    } else {
    }
    return
  }
}

#map = affine_map<(d0, d1) -> (0, 0)>
#map1 = affine_map<(d0, d1) -> (0, 0, 0)>
module attributes {stable_mosaic.version = 14 : i64} {
  func.func @edge_kernel(%arg0: i32, %arg1: i32, %arg2: memref<10240x128xf32, #tpu.memory_space<hbm>>, %arg3: memref<32x80x128xi32, #tpu.memory_space<hbm>>, %arg4: memref<32x80x128xi32, #tpu.memory_space<hbm>>, %arg5: memref<10240x128xf32, #tpu.memory_space<hbm>>, %arg6: memref<10240x128xf32, #tpu.memory_space<hbm>>, %arg7: memref<80x128xi32, #tpu.memory_space<vmem>>, %arg8: memref<80x128xi32, #tpu.memory_space<vmem>>, %arg9: memref<128x128xf32, #tpu.memory_space<vmem>>, %arg10: memref<128x128xf32, #tpu.memory_space<vmem>>, %arg11: memref<10240x128xf32, #tpu.memory_space<vmem_shared>>, %arg12: memref<!tpu.dma_semaphore, #tpu.memory_space<semaphore_mem>>) attributes {dimension_semantics = [#tpu.dimension_semantics<core_parallel>, #tpu.dimension_semantics<subcore_parallel>], iteration_bounds = array<i64: 2, 16>, scalar_prefetch = 0 : i64, scratch_operands = 6 : i64, tpu.core_type = #tpu.core_type<sc_vector_subcore>, window_params = [{transform_indices = #map}, {transform_indices = #map1}, {transform_indices = #map1}, {transform_indices = #map}, {transform_indices = #map}]} {
    %mul3A = arith.constant 16 : i32
    %mul3A_0 = arith.muli %arg0, %mul3A : i32
    %add3A = arith.addi %mul3A_0, %arg1 : i32
    %broadcast_in_dim3A = arith.constant 0.000000e+00 : f32
    %broadcast_in_dim3A_1 = vector.broadcast %broadcast_in_dim3A : f32 to vector<16xf32>
    %scan3A = arith.constant 0 : i32
    %scan3A_2 = arith.constant 0 : i32
    %scan3A_3 = arith.constant 1024 : i32
    %scan3A_4 = arith.addi %scan3A_2, %scan3A_3 : i32
    %scan3A_5 = arith.constant 1 : i32
    %scan3A_6 = scf.for %scan3A_43 = %scan3A_2 to %scan3A_4 step %scan3A_5 iter_args(%scan3A_44 = %scan3A) -> (i32)  : i32 {
      %jit3A = arith.constant 8 : i32
      %div3A = arith.divsi %scan3A_43, %jit3A : i32
      %sign3A = arith.constant 0 : i32
      %sign3A_45 = arith.cmpi sgt, %scan3A_43, %sign3A : i32
      %sign3A_46 = arith.extui %sign3A_45 : i1 to i32
      %sign3A_47 = arith.constant 0 : i32
      %sign3A_48 = arith.cmpi slt, %scan3A_43, %sign3A_47 : i32
      %sign3A_49 = arith.extui %sign3A_48 : i1 to i32
      %sign3A_50 = arith.subi %sign3A_46, %sign3A_49 : i32
      %sign3A_51 = arith.constant 0 : i32
      %sign3A_52 = arith.cmpi sgt, %jit3A, %sign3A_51 : i32
      %sign3A_53 = arith.extui %sign3A_52 : i1 to i32
      %sign3A_54 = arith.constant 0 : i32
      %sign3A_55 = arith.cmpi slt, %jit3A, %sign3A_54 : i32
      %sign3A_56 = arith.extui %sign3A_55 : i1 to i32
      %sign3A_57 = arith.subi %sign3A_53, %sign3A_56 : i32
      %ne3A = arith.cmpi ne, %sign3A_50, %sign3A_57 : i32
      %rem3A = arith.remsi %scan3A_43, %jit3A : i32
      %ne3A_58 = arith.constant 0 : i32
      %ne3A_59 = arith.cmpi ne, %rem3A, %ne3A_58 : i32
      %and3A = arith.andi %ne3A, %ne3A_59 : i1
      %sub3A = arith.constant 1 : i32
      %sub3A_60 = arith.subi %div3A, %sub3A : i32
      %select_n3A = arith.select %and3A, %sub3A_60, %div3A : i32
      %jit3A_61 = arith.constant 8 : i32
      %eq3A_62 = arith.constant 0 : i32
      %eq3A_63 = arith.cmpi eq, %jit3A_61, %eq3A_62 : i32
      %jit3A_64 = arith.constant 1 : i32
      %select_n3A_65 = arith.select %eq3A_63, %jit3A_64, %jit3A_61 : i32
      %rem3A_66 = arith.remsi %scan3A_43, %select_n3A_65 : i32
      %ne3A_67 = arith.constant 0 : i32
      %ne3A_68 = arith.cmpi ne, %rem3A_66, %ne3A_67 : i32
      %lt3A = arith.constant 0 : i32
      %lt3A_69 = arith.cmpi slt, %rem3A_66, %lt3A : i32
      %lt3A_70 = arith.constant 0 : i32
      %lt3A_71 = arith.cmpi slt, %select_n3A_65, %lt3A_70 : i32
      %ne3A_72 = arith.xori %lt3A_69, %lt3A_71 : i1
      %and3A_73 = arith.andi %ne3A_72, %ne3A_68 : i1
      %add3A_74 = arith.addi %rem3A_66, %select_n3A_65 : i32
      %select_n3A_75 = arith.select %and3A_73, %add3A_74, %rem3A_66 : i32
      %mul3A_76 = arith.constant 16 : i32
      %mul3A_77 = arith.muli %select_n3A_75, %mul3A_76 : i32
      %swap3A = arith.index_cast %select_n3A : i32 to index
      %swap3A_78 = arith.index_cast %mul3A_77 : i32 to index
      %swap3A_79 = tpu.vector_load %arg9[%swap3A, %swap3A_78] {strides = array<i32>} : memref<128x128xf32, #tpu.memory_space<vmem>>, vector<1x16xf32>,
      %swap3A_80 = vector.shape_cast %swap3A_79 : vector<1x16xf32> to vector<16xf32>
      %swap3A_81 = vector.shape_cast %broadcast_in_dim3A_1 : vector<16xf32> to vector<1x16xf32>
      tpu.vector_store %arg9[%swap3A, %swap3A_78], %swap3A_81 {strides = array<i32>} : memref<128x128xf32, #tpu.memory_space<vmem>>, vector<1x16xf32>,
      %scan3A_82 = arith.constant 0 : i32
      scf.yield %scan3A_82 : i32
    }
    %scan3A_7 = arith.constant 1024 : i32
    %mul3A_8 = arith.constant 640 : i32
    %mul3A_9 = arith.muli %arg1, %mul3A_8 : i32
    %add3A_10 = arith.constant 0 : i32
    %add3A_11 = arith.addi %mul3A_9, %add3A_10 : i32
    "tpu.region"() ({
      %run_scoped3A = tpu.sem_alloc : memref<!tpu.dma_semaphore, #tpu.memory_space<semaphore_mem>>
      %dma_start3A = arith.constant 0 : i32
      %dma_start3A_43 = tpu.memref_slice %arg11[%add3A_11, %dma_start3A] : memref<10240x128xf32, #tpu.memory_space<vmem_shared>> -> memref<128x128xf32, #tpu.memory_space<vmem_shared>>
      %dma_start3A_44 = arith.constant 0 : i32
      %dma_start3A_45 = tpu.memref_slice %arg11[%add3A_11, %dma_start3A_44] : memref<10240x128xf32, #tpu.memory_space<vmem_shared>> -> memref<128x128xf32, #tpu.memory_space<vmem_shared>>
      tpu.enqueue_dma source(%arg9 : memref<128x128xf32, #tpu.memory_space<vmem>>) target(%dma_start3A_45 : memref<128x128xf32, #tpu.memory_space<vmem_shared>>) target_semaphore(%run_scoped3A : memref<!tpu.dma_semaphore, #tpu.memory_space<semaphore_mem>>)
      %dma_wait3A = arith.constant 0 : i32
      %dma_wait3A_46 = tpu.memref_slice %arg11[%add3A_11, %dma_wait3A] : memref<10240x128xf32, #tpu.memory_space<vmem_shared>> -> memref<128x128xf32, #tpu.memory_space<vmem_shared>>
      %dma_wait3A_47 = arith.constant 0 : i32
      %dma_wait3A_48 = tpu.memref_slice %arg11[%add3A_11, %dma_wait3A_47] : memref<10240x128xf32, #tpu.memory_space<vmem_shared>> -> memref<128x128xf32, #tpu.memory_space<vmem_shared>>
      tpu.wait_dma2 semaphore(%run_scoped3A : memref<!tpu.dma_semaphore, #tpu.memory_space<semaphore_mem>>) src(%arg9 : memref<128x128xf32, #tpu.memory_space<vmem>>) dst(%dma_wait3A_48 : memref<128x128xf32, #tpu.memory_space<vmem_shared>>)
      tpu.yield
    }) : () -> ()
    %mul3A_12 = arith.constant 640 : i32
    %mul3A_13 = arith.muli %arg1, %mul3A_12 : i32
    %add3A_14 = arith.constant 128 : i32
    %add3A_15 = arith.addi %mul3A_13, %add3A_14 : i32
    "tpu.region"() ({
      %run_scoped3A = tpu.sem_alloc : memref<!tpu.dma_semaphore, #tpu.memory_space<semaphore_mem>>
      %dma_start3A = arith.constant 0 : i32
      %dma_start3A_43 = tpu.memref_slice %arg11[%add3A_15, %dma_start3A] : memref<10240x128xf32, #tpu.memory_space<vmem_shared>> -> memref<128x128xf32, #tpu.memory_space<vmem_shared>>
      %dma_start3A_44 = arith.constant 0 : i32
      %dma_start3A_45 = tpu.memref_slice %arg11[%add3A_15, %dma_start3A_44] : memref<10240x128xf32, #tpu.memory_space<vmem_shared>> -> memref<128x128xf32, #tpu.memory_space<vmem_shared>>
      tpu.enqueue_dma source(%arg9 : memref<128x128xf32, #tpu.memory_space<vmem>>) target(%dma_start3A_45 : memref<128x128xf32, #tpu.memory_space<vmem_shared>>) target_semaphore(%run_scoped3A : memref<!tpu.dma_semaphore, #tpu.memory_space<semaphore_mem>>)
      %dma_wait3A = arith.constant 0 : i32
      %dma_wait3A_46 = tpu.memref_slice %arg11[%add3A_15, %dma_wait3A] : memref<10240x128xf32, #tpu.memory_space<vmem_shared>> -> memref<128x128xf32, #tpu.memory_space<vmem_shared>>
      %dma_wait3A_47 = arith.constant 0 : i32
      %dma_wait3A_48 = tpu.memref_slice %arg11[%add3A_15, %dma_wait3A_47] : memref<10240x128xf32, #tpu.memory_space<vmem_shared>> -> memref<128x128xf32, #tpu.memory_space<vmem_shared>>
      tpu.wait_dma2 semaphore(%run_scoped3A : memref<!tpu.dma_semaphore, #tpu.memory_space<semaphore_mem>>) src(%arg9 : memref<128x128xf32, #tpu.memory_space<vmem>>) dst(%dma_wait3A_48 : memref<128x128xf32, #tpu.memory_space<vmem_shared>>)
      tpu.yield
    }) : () -> ()
    %mul3A_16 = arith.constant 640 : i32
    %mul3A_17 = arith.muli %arg1, %mul3A_16 : i32
    %add3A_18 = arith.constant 256 : i32
    %add3A_19 = arith.addi %mul3A_17, %add3A_18 : i32
    "tpu.region"() ({
      %run_scoped3A = tpu.sem_alloc : memref<!tpu.dma_semaphore, #tpu.memory_space<semaphore_mem>>
      %dma_start3A = arith.constant 0 : i32
      %dma_start3A_43 = tpu.memref_slice %arg11[%add3A_19, %dma_start3A] : memref<10240x128xf32, #tpu.memory_space<vmem_shared>> -> memref<128x128xf32, #tpu.memory_space<vmem_shared>>
      %dma_start3A_44 = arith.constant 0 : i32
      %dma_start3A_45 = tpu.memref_slice %arg11[%add3A_19, %dma_start3A_44] : memref<10240x128xf32, #tpu.memory_space<vmem_shared>> -> memref<128x128xf32, #tpu.memory_space<vmem_shared>>
      tpu.enqueue_dma source(%arg9 : memref<128x128xf32, #tpu.memory_space<vmem>>) target(%dma_start3A_45 : memref<128x128xf32, #tpu.memory_space<vmem_shared>>) target_semaphore(%run_scoped3A : memref<!tpu.dma_semaphore, #tpu.memory_space<semaphore_mem>>)
      %dma_wait3A = arith.constant 0 : i32
      %dma_wait3A_46 = tpu.memref_slice %arg11[%add3A_19, %dma_wait3A] : memref<10240x128xf32, #tpu.memory_space<vmem_shared>> -> memref<128x128xf32, #tpu.memory_space<vmem_shared>>
      %dma_wait3A_47 = arith.constant 0 : i32
      %dma_wait3A_48 = tpu.memref_slice %arg11[%add3A_19, %dma_wait3A_47] : memref<10240x128xf32, #tpu.memory_space<vmem_shared>> -> memref<128x128xf32, #tpu.memory_space<vmem_shared>>
      tpu.wait_dma2 semaphore(%run_scoped3A : memref<!tpu.dma_semaphore, #tpu.memory_space<semaphore_mem>>) src(%arg9 : memref<128x128xf32, #tpu.memory_space<vmem>>) dst(%dma_wait3A_48 : memref<128x128xf32, #tpu.memory_space<vmem_shared>>)
      tpu.yield
    }) : () -> ()
    %mul3A_20 = arith.constant 640 : i32
    %mul3A_21 = arith.muli %arg1, %mul3A_20 : i32
    %add3A_22 = arith.constant 384 : i32
    %add3A_23 = arith.addi %mul3A_21, %add3A_22 : i32
    "tpu.region"() ({
      %run_scoped3A = tpu.sem_alloc : memref<!tpu.dma_semaphore, #tpu.memory_space<semaphore_mem>>
      %dma_start3A = arith.constant 0 : i32
      %dma_start3A_43 = tpu.memref_slice %arg11[%add3A_23, %dma_start3A] : memref<10240x128xf32, #tpu.memory_space<vmem_shared>> -> memref<128x128xf32, #tpu.memory_space<vmem_shared>>
      %dma_start3A_44 = arith.constant 0 : i32
      %dma_start3A_45 = tpu.memref_slice %arg11[%add3A_23, %dma_start3A_44] : memref<10240x128xf32, #tpu.memory_space<vmem_shared>> -> memref<128x128xf32, #tpu.memory_space<vmem_shared>>
      tpu.enqueue_dma source(%arg9 : memref<128x128xf32, #tpu.memory_space<vmem>>) target(%dma_start3A_45 : memref<128x128xf32, #tpu.memory_space<vmem_shared>>) target_semaphore(%run_scoped3A : memref<!tpu.dma_semaphore, #tpu.memory_space<semaphore_mem>>)
      %dma_wait3A = arith.constant 0 : i32
      %dma_wait3A_46 = tpu.memref_slice %arg11[%add3A_23, %dma_wait3A] : memref<10240x128xf32, #tpu.memory_space<vmem_shared>> -> memref<128x128xf32, #tpu.memory_space<vmem_shared>>
      %dma_wait3A_47 = arith.constant 0 : i32
      %dma_wait3A_48 = tpu.memref_slice %arg11[%add3A_23, %dma_wait3A_47] : memref<10240x128xf32, #tpu.memory_space<vmem_shared>> -> memref<128x128xf32, #tpu.memory_space<vmem_shared>>
      tpu.wait_dma2 semaphore(%run_scoped3A : memref<!tpu.dma_semaphore, #tpu.memory_space<semaphore_mem>>) src(%arg9 : memref<128x128xf32, #tpu.memory_space<vmem>>) dst(%dma_wait3A_48 : memref<128x128xf32, #tpu.memory_space<vmem_shared>>)
      tpu.yield
    }) : () -> ()
    %mul3A_24 = arith.constant 640 : i32
    %mul3A_25 = arith.muli %arg1, %mul3A_24 : i32
    %add3A_26 = arith.constant 512 : i32
    %add3A_27 = arith.addi %mul3A_25, %add3A_26 : i32
    "tpu.region"() ({
      %run_scoped3A = tpu.sem_alloc : memref<!tpu.dma_semaphore, #tpu.memory_space<semaphore_mem>>
      %dma_start3A = arith.constant 0 : i32
      %dma_start3A_43 = tpu.memref_slice %arg11[%add3A_27, %dma_start3A] : memref<10240x128xf32, #tpu.memory_space<vmem_shared>> -> memref<128x128xf32, #tpu.memory_space<vmem_shared>>
      %dma_start3A_44 = arith.constant 0 : i32
      %dma_start3A_45 = tpu.memref_slice %arg11[%add3A_27, %dma_start3A_44] : memref<10240x128xf32, #tpu.memory_space<vmem_shared>> -> memref<128x128xf32, #tpu.memory_space<vmem_shared>>
      tpu.enqueue_dma source(%arg9 : memref<128x128xf32, #tpu.memory_space<vmem>>) target(%dma_start3A_45 : memref<128x128xf32, #tpu.memory_space<vmem_shared>>) target_semaphore(%run_scoped3A : memref<!tpu.dma_semaphore, #tpu.memory_space<semaphore_mem>>)
      %dma_wait3A = arith.constant 0 : i32
      %dma_wait3A_46 = tpu.memref_slice %arg11[%add3A_27, %dma_wait3A] : memref<10240x128xf32, #tpu.memory_space<vmem_shared>> -> memref<128x128xf32, #tpu.memory_space<vmem_shared>>
      %dma_wait3A_47 = arith.constant 0 : i32
      %dma_wait3A_48 = tpu.memref_slice %arg11[%add3A_27, %dma_wait3A_47] : memref<10240x128xf32, #tpu.memory_space<vmem_shared>> -> memref<128x128xf32, #tpu.memory_space<vmem_shared>>
      tpu.wait_dma2 semaphore(%run_scoped3A : memref<!tpu.dma_semaphore, #tpu.memory_space<semaphore_mem>>) src(%arg9 : memref<128x128xf32, #tpu.memory_space<vmem>>) dst(%dma_wait3A_48 : memref<128x128xf32, #tpu.memory_space<vmem_shared>>)
      tpu.yield
    }) : () -> ()
    %barrier3A = arith.constant 0 : index
    tpu.barrier barrier_id(%barrier3A)
    "tpu.region"() ({
      %run_scoped3A = tpu.sem_alloc : memref<!tpu.dma_semaphore, #tpu.memory_space<semaphore_mem>>
      %dma_start3A = arith.constant 0 : i32
      %dma_start3A_43 = arith.constant 0 : i32
      %dma_start3A_44 = tpu.memref_slice %arg3[%add3A, %dma_start3A, %dma_start3A_43] : memref<32x80x128xi32, #tpu.memory_space<hbm>> -> memref<1x80x128xi32, #tpu.memory_space<hbm>>
      %dma_start3A_45 = tpu.memref_squeeze %dma_start3A_44 : memref<1x80x128xi32, #tpu.memory_space<hbm>> -> memref<80x128xi32, #tpu.memory_space<hbm>>
      %dma_start3A_46 = arith.constant 0 : i32
      %dma_start3A_47 = arith.constant 0 : i32
      %dma_start3A_48 = tpu.memref_slice %arg3[%add3A, %dma_start3A_46, %dma_start3A_47] : memref<32x80x128xi32, #tpu.memory_space<hbm>> -> memref<1x80x128xi32, #tpu.memory_space<hbm>>
      %dma_start3A_49 = tpu.memref_squeeze %dma_start3A_48 : memref<1x80x128xi32, #tpu.memory_space<hbm>> -> memref<80x128xi32, #tpu.memory_space<hbm>>
      tpu.enqueue_dma source(%dma_start3A_49 : memref<80x128xi32, #tpu.memory_space<hbm>>) target(%arg7 : memref<80x128xi32, #tpu.memory_space<vmem>>) target_semaphore(%run_scoped3A : memref<!tpu.dma_semaphore, #tpu.memory_space<semaphore_mem>>)
      %dma_wait3A = arith.constant 0 : i32
      %dma_wait3A_50 = arith.constant 0 : i32
      %dma_wait3A_51 = tpu.memref_slice %arg3[%add3A, %dma_wait3A, %dma_wait3A_50] : memref<32x80x128xi32, #tpu.memory_space<hbm>> -> memref<1x80x128xi32, #tpu.memory_space<hbm>>
      %dma_wait3A_52 = tpu.memref_squeeze %dma_wait3A_51 : memref<1x80x128xi32, #tpu.memory_space<hbm>> -> memref<80x128xi32, #tpu.memory_space<hbm>>
      %dma_wait3A_53 = arith.constant 0 : i32
      %dma_wait3A_54 = arith.constant 0 : i32
      %dma_wait3A_55 = tpu.memref_slice %arg3[%add3A, %dma_wait3A_53, %dma_wait3A_54] : memref<32x80x128xi32, #tpu.memory_space<hbm>> -> memref<1x80x128xi32, #tpu.memory_space<hbm>>
      %dma_wait3A_56 = tpu.memref_squeeze %dma_wait3A_55 : memref<1x80x128xi32, #tpu.memory_space<hbm>> -> memref<80x128xi32, #tpu.memory_space<hbm>>
      tpu.wait_dma2 semaphore(%run_scoped3A : memref<!tpu.dma_semaphore, #tpu.memory_space<semaphore_mem>>) src(%dma_wait3A_56 : memref<80x128xi32, #tpu.memory_space<hbm>>) dst(%arg7 : memref<80x128xi32, #tpu.memory_space<vmem>>)
      tpu.yield
    }) : () -> ()
    "tpu.region"() ({
      %run_scoped3A = tpu.sem_alloc : memref<!tpu.dma_semaphore, #tpu.memory_space<semaphore_mem>>
      %dma_start3A = arith.constant 0 : i32
      %dma_start3A_43 = arith.constant 0 : i32
      %dma_start3A_44 = tpu.memref_slice %arg4[%add3A, %dma_start3A, %dma_start3A_43] : memref<32x80x128xi32, #tpu.memory_space<hbm>> -> memref<1x80x128xi32, #tpu.memory_space<hbm>>
      %dma_start3A_45 = tpu.memref_squeeze %dma_start3A_44 : memref<1x80x128xi32, #tpu.memory_space<hbm>> -> memref<80x128xi32, #tpu.memory_space<hbm>>
      %dma_start3A_46 = arith.constant 0 : i32
      %dma_start3A_47 = arith.constant 0 : i32
      %dma_start3A_48 = tpu.memref_slice %arg4[%add3A, %dma_start3A_46, %dma_start3A_47] : memref<32x80x128xi32, #tpu.memory_space<hbm>> -> memref<1x80x128xi32, #tpu.memory_space<hbm>>
      %dma_start3A_49 = tpu.memref_squeeze %dma_start3A_48 : memref<1x80x128xi32, #tpu.memory_space<hbm>> -> memref<80x128xi32, #tpu.memory_space<hbm>>
      tpu.enqueue_dma source(%dma_start3A_49 : memref<80x128xi32, #tpu.memory_space<hbm>>) target(%arg8 : memref<80x128xi32, #tpu.memory_space<vmem>>) target_semaphore(%run_scoped3A : memref<!tpu.dma_semaphore, #tpu.memory_space<semaphore_mem>>)
      %dma_wait3A = arith.constant 0 : i32
      %dma_wait3A_50 = arith.constant 0 : i32
      %dma_wait3A_51 = tpu.memref_slice %arg4[%add3A, %dma_wait3A, %dma_wait3A_50] : memref<32x80x128xi32, #tpu.memory_space<hbm>> -> memref<1x80x128xi32, #tpu.memory_space<hbm>>
      %dma_wait3A_52 = tpu.memref_squeeze %dma_wait3A_51 : memref<1x80x128xi32, #tpu.memory_space<hbm>> -> memref<80x128xi32, #tpu.memory_space<hbm>>
      %dma_wait3A_53 = arith.constant 0 : i32
      %dma_wait3A_54 = arith.constant 0 : i32
      %dma_wait3A_55 = tpu.memref_slice %arg4[%add3A, %dma_wait3A_53, %dma_wait3A_54] : memref<32x80x128xi32, #tpu.memory_space<hbm>> -> memref<1x80x128xi32, #tpu.memory_space<hbm>>
      %dma_wait3A_56 = tpu.memref_squeeze %dma_wait3A_55 : memref<1x80x128xi32, #tpu.memory_space<hbm>> -> memref<80x128xi32, #tpu.memory_space<hbm>>
      tpu.wait_dma2 semaphore(%run_scoped3A : memref<!tpu.dma_semaphore, #tpu.memory_space<semaphore_mem>>) src(%dma_wait3A_56 : memref<80x128xi32, #tpu.memory_space<hbm>>) dst(%arg8 : memref<80x128xi32, #tpu.memory_space<vmem>>)
      tpu.yield
    }) : () -> ()
    %scan3A_28 = arith.constant 0 : i32
    %scan3A_29 = arith.constant 0 : i32
    %scan3A_30 = arith.constant 80 : i32
    %scan3A_31 = arith.addi %scan3A_29, %scan3A_30 : i32
    %scan3A_32 = arith.constant 1 : i32
    %scan3A_33 = scf.for %scan3A_43 = %scan3A_29 to %scan3A_31 step %scan3A_32 iter_args(%scan3A_44 = %scan3A_28) -> (i32)  : i32 {
      "tpu.region"() ({
        %run_scoped3A = tpu.sem_alloc : memref<!tpu.dma_semaphore, #tpu.memory_space<semaphore_mem>>
        %dma_start3A = arith.constant 0 : i32
        %dma_start3A_46 = tpu.memref_slice %arg7[%scan3A_43, %dma_start3A] : memref<80x128xi32, #tpu.memory_space<vmem>> -> memref<1x128xi32, #tpu.memory_space<vmem>>
        %dma_start3A_47 = tpu.memref_squeeze %dma_start3A_46 : memref<1x128xi32, #tpu.memory_space<vmem>> -> memref<128xi32, #tpu.memory_space<vmem>>
        %dma_start3A_48 = arith.constant 0 : i32
        %dma_start3A_49 = arith.constant 0 : i32
        %dma_start3A_50 = tpu.memref_slice %arg2[%dma_start3A_48, %dma_start3A_49] : memref<10240x128xf32, #tpu.memory_space<hbm>> -> memref<10240x128xf32, #tpu.memory_space<hbm>>
        tpu.enqueue_indirect_dma source(%dma_start3A_50 : memref<10240x128xf32, #tpu.memory_space<hbm>>) target(%arg9 : memref<128x128xf32, #tpu.memory_space<vmem>>) offsets(%dma_start3A_47 : memref<128xi32, #tpu.memory_space<vmem>>) semaphore(%run_scoped3A : memref<!tpu.dma_semaphore, #tpu.memory_space<semaphore_mem>>)
        %dma_wait3A = arith.constant 0 : i32
        %dma_wait3A_51 = tpu.memref_slice %arg7[%scan3A_43, %dma_wait3A] : memref<80x128xi32, #tpu.memory_space<vmem>> -> memref<1x128xi32, #tpu.memory_space<vmem>>
        %dma_wait3A_52 = tpu.memref_squeeze %dma_wait3A_51 : memref<1x128xi32, #tpu.memory_space<vmem>> -> memref<128xi32, #tpu.memory_space<vmem>>
        %dma_wait3A_53 = arith.constant 0 : i32
        %dma_wait3A_54 = arith.constant 0 : i32
        %dma_wait3A_55 = tpu.memref_slice %arg2[%dma_wait3A_53, %dma_wait3A_54] : memref<10240x128xf32, #tpu.memory_space<hbm>> -> memref<10240x128xf32, #tpu.memory_space<hbm>>
        tpu.wait_indirect_dma semaphore(%run_scoped3A : memref<!tpu.dma_semaphore, #tpu.memory_space<semaphore_mem>>) src(%dma_wait3A_55 : memref<10240x128xf32, #tpu.memory_space<hbm>>) dst(%arg9 : memref<128x128xf32, #tpu.memory_space<vmem>>)
        tpu.yield
      }) : () -> ()
      "tpu.region"() ({
        %run_scoped3A = tpu.sem_alloc : memref<!tpu.dma_semaphore, #tpu.memory_space<semaphore_mem>>
        %dma_start3A = arith.constant 0 : i32
        %dma_start3A_46 = tpu.memref_slice %arg8[%scan3A_43, %dma_start3A] : memref<80x128xi32, #tpu.memory_space<vmem>> -> memref<1x128xi32, #tpu.memory_space<vmem>>
        %dma_start3A_47 = tpu.memref_squeeze %dma_start3A_46 : memref<1x128xi32, #tpu.memory_space<vmem>> -> memref<128xi32, #tpu.memory_space<vmem>>
        %dma_start3A_48 = arith.constant 0 : i32
        %dma_start3A_49 = arith.constant 0 : i32
        %dma_start3A_50 = tpu.memref_slice %arg11[%dma_start3A_48, %dma_start3A_49] : memref<10240x128xf32, #tpu.memory_space<vmem_shared>> -> memref<10240x128xf32, #tpu.memory_space<vmem_shared>>
        tpu.enqueue_indirect_dma source(%arg9 : memref<128x128xf32, #tpu.memory_space<vmem>>) target(%dma_start3A_50 : memref<10240x128xf32, #tpu.memory_space<vmem_shared>>) offsets(%dma_start3A_47 : memref<128xi32, #tpu.memory_space<vmem>>) semaphore(%run_scoped3A : memref<!tpu.dma_semaphore, #tpu.memory_space<semaphore_mem>>) {add = true}
        %dma_wait3A = arith.constant 0 : i32
        %dma_wait3A_51 = tpu.memref_slice %arg8[%scan3A_43, %dma_wait3A] : memref<80x128xi32, #tpu.memory_space<vmem>> -> memref<1x128xi32, #tpu.memory_space<vmem>>
        %dma_wait3A_52 = tpu.memref_squeeze %dma_wait3A_51 : memref<1x128xi32, #tpu.memory_space<vmem>> -> memref<128xi32, #tpu.memory_space<vmem>>
        %dma_wait3A_53 = arith.constant 0 : i32
        %dma_wait3A_54 = arith.constant 0 : i32
        %dma_wait3A_55 = tpu.memref_slice %arg11[%dma_wait3A_53, %dma_wait3A_54] : memref<10240x128xf32, #tpu.memory_space<vmem_shared>> -> memref<10240x128xf32, #tpu.memory_space<vmem_shared>>
        tpu.wait_indirect_dma semaphore(%run_scoped3A : memref<!tpu.dma_semaphore, #tpu.memory_space<semaphore_mem>>) src(%arg9 : memref<128x128xf32, #tpu.memory_space<vmem>>) dst(%dma_wait3A_55 : memref<10240x128xf32, #tpu.memory_space<vmem_shared>>)
        tpu.yield
      }) : () -> ()
      %scan3A_45 = arith.constant 0 : i32
      scf.yield %scan3A_45 : i32
    }
    %scan3A_34 = arith.constant 80 : i32
    %barrier3A_35 = arith.constant 0 : index
    tpu.barrier barrier_id(%barrier3A_35)
    %eq3A = arith.constant 0 : i32
    %eq3A_36 = arith.cmpi eq, %arg0, %eq3A : i32
    %convert_element_type3A = arith.extui %eq3A_36 : i1 to i32
    %cond3A = arith.constant 0 : i32
    %cond3A_37 = arith.cmpi ne, %convert_element_type3A, %cond3A : i32
    scf.if %cond3A_37 {
      %mul3A_43 = arith.constant 640 : i32
      %mul3A_44 = arith.muli %arg1, %mul3A_43 : i32
      %mul3A_45 = arith.constant 640 : i32
      %mul3A_46 = arith.muli %arg1, %mul3A_45 : i32
      "tpu.region"() ({
        %run_scoped3A = tpu.sem_alloc : memref<!tpu.dma_semaphore, #tpu.memory_space<semaphore_mem>>
        %dma_start3A = arith.constant 0 : i32
        %dma_start3A_47 = tpu.memref_slice %arg5[%mul3A_46, %dma_start3A] : memref<10240x128xf32, #tpu.memory_space<hbm>> -> memref<640x128xf32, #tpu.memory_space<hbm>>
        %dma_start3A_48 = arith.constant 0 : i32
        %dma_start3A_49 = tpu.memref_slice %arg11[%mul3A_44, %dma_start3A_48] : memref<10240x128xf32, #tpu.memory_space<vmem_shared>> -> memref<640x128xf32, #tpu.memory_space<vmem_shared>>
        tpu.enqueue_dma source(%dma_start3A_49 : memref<640x128xf32, #tpu.memory_space<vmem_shared>>) target(%dma_start3A_47 : memref<640x128xf32, #tpu.memory_space<hbm>>) target_semaphore(%run_scoped3A : memref<!tpu.dma_semaphore, #tpu.memory_space<semaphore_mem>>)
        %dma_wait3A = arith.constant 0 : i32
        %dma_wait3A_50 = tpu.memref_slice %arg5[%mul3A_46, %dma_wait3A] : memref<10240x128xf32, #tpu.memory_space<hbm>> -> memref<640x128xf32, #tpu.memory_space<hbm>>
        %dma_wait3A_51 = arith.constant 0 : i32
        %dma_wait3A_52 = tpu.memref_slice %arg11[%mul3A_44, %dma_wait3A_51] : memref<10240x128xf32, #tpu.memory_space<vmem_shared>> -> memref<640x128xf32, #tpu.memory_space<vmem_shared>>
        tpu.wait_dma2 semaphore(%run_scoped3A : memref<!tpu.dma_semaphore, #tpu.memory_space<semaphore_mem>>) src(%dma_wait3A_52 : memref<640x128xf32, #tpu.memory_space<vmem_shared>>) dst(%dma_wait3A_50 : memref<640x128xf32, #tpu.memory_space<hbm>>)
        tpu.yield
      }) : () -> ()
    } else {
    }
    %eq3A_38 = arith.constant 1 : i32
    %eq3A_39 = arith.cmpi eq, %arg0, %eq3A_38 : i32
    %convert_element_type3A_40 = arith.extui %eq3A_39 : i1 to i32
    %cond3A_41 = arith.constant 0 : i32
    %cond3A_42 = arith.cmpi ne, %convert_element_type3A_40, %cond3A_41 : i32
    scf.if %cond3A_42 {
      %mul3A_43 = arith.constant 640 : i32
      %mul3A_44 = arith.muli %arg1, %mul3A_43 : i32
      %mul3A_45 = arith.constant 640 : i32
      %mul3A_46 = arith.muli %arg1, %mul3A_45 : i32
      "tpu.region"() ({
        %run_scoped3A = tpu.sem_alloc : memref<!tpu.dma_semaphore, #tpu.memory_space<semaphore_mem>>
        %dma_start3A = arith.constant 0 : i32
        %dma_start3A_47 = tpu.memref_slice %arg6[%mul3A_46, %dma_start3A] : memref<10240x128xf32, #tpu.memory_space<hbm>> -> memref<640x128xf32, #tpu.memory_space<hbm>>
        %dma_start3A_48 = arith.constant 0 : i32
        %dma_start3A_49 = tpu.memref_slice %arg11[%mul3A_44, %dma_start3A_48] : memref<10240x128xf32, #tpu.memory_space<vmem_shared>> -> memref<640x128xf32, #tpu.memory_space<vmem_shared>>
        tpu.enqueue_dma source(%dma_start3A_49 : memref<640x128xf32, #tpu.memory_space<vmem_shared>>) target(%dma_start3A_47 : memref<640x128xf32, #tpu.memory_space<hbm>>) target_semaphore(%run_scoped3A : memref<!tpu.dma_semaphore, #tpu.memory_space<semaphore_mem>>)
        %dma_wait3A = arith.constant 0 : i32
        %dma_wait3A_50 = tpu.memref_slice %arg6[%mul3A_46, %dma_wait3A] : memref<10240x128xf32, #tpu.memory_space<hbm>> -> memref<640x128xf32, #tpu.memory_space<hbm>>
        %dma_wait3A_51 = arith.constant 0 : i32
        %dma_wait3A_52 = tpu.memref_slice %arg11[%mul3A_44, %dma_wait3A_51] : memref<10240x128xf32, #tpu.memory_space<vmem_shared>> -> memref<640x128xf32, #tpu.memory_space<vmem_shared>>
        tpu.wait_dma2 semaphore(%run_scoped3A : memref<!tpu.dma_semaphore, #tpu.memory_space<semaphore_mem>>) src(%dma_wait3A_52 : memref<640x128xf32, #tpu.memory_space<vmem_shared>>) dst(%dma_wait3A_50 : memref<640x128xf32, #tpu.memory_space<hbm>>)
        tpu.yield
      }) : () -> ()
    } else {
    }
    return
  }
}

#map = affine_map<(d0, d1) -> (0, 0)>
#map1 = affine_map<(d0, d1) -> (0, 0, 0)>
module attributes {stable_mosaic.version = 14 : i64} {
  func.func @edge_kernel(%arg0: i32, %arg1: i32, %arg2: memref<10240x128xf32, #tpu.memory_space<hbm>>, %arg3: memref<32x80x128xi32, #tpu.memory_space<hbm>>, %arg4: memref<32x80x128xi32, #tpu.memory_space<hbm>>, %arg5: memref<10240x128xf32, #tpu.memory_space<hbm>>, %arg6: memref<10240x128xf32, #tpu.memory_space<hbm>>, %arg7: memref<80x128xi32, #tpu.memory_space<vmem>>, %arg8: memref<80x128xi32, #tpu.memory_space<vmem>>, %arg9: memref<128x128xf32, #tpu.memory_space<vmem>>, %arg10: memref<128x128xf32, #tpu.memory_space<vmem>>, %arg11: memref<10240x128xf32, #tpu.memory_space<vmem_shared>>, %arg12: memref<!tpu.dma_semaphore, #tpu.memory_space<semaphore_mem>>) attributes {dimension_semantics = [#tpu.dimension_semantics<core_parallel>, #tpu.dimension_semantics<subcore_parallel>], iteration_bounds = array<i64: 2, 16>, scalar_prefetch = 0 : i64, scratch_operands = 6 : i64, tpu.core_type = #tpu.core_type<sc_vector_subcore>, window_params = [{transform_indices = #map}, {transform_indices = #map1}, {transform_indices = #map1}, {transform_indices = #map}, {transform_indices = #map}]} {
    %mul3A = arith.constant 16 : i32
    %mul3A_0 = arith.muli %arg0, %mul3A : i32
    %add3A = arith.addi %mul3A_0, %arg1 : i32
    %broadcast_in_dim3A = arith.constant 0.000000e+00 : f32
    %broadcast_in_dim3A_1 = vector.broadcast %broadcast_in_dim3A : f32 to vector<16xf32>
    %scan3A = arith.constant 0 : i32
    %scan3A_2 = arith.constant 0 : i32
    %scan3A_3 = arith.constant 1024 : i32
    %scan3A_4 = arith.addi %scan3A_2, %scan3A_3 : i32
    %scan3A_5 = arith.constant 1 : i32
    %scan3A_6 = scf.for %scan3A_43 = %scan3A_2 to %scan3A_4 step %scan3A_5 iter_args(%scan3A_44 = %scan3A) -> (i32)  : i32 {
      %jit3A = arith.constant 8 : i32
      %div3A = arith.divsi %scan3A_43, %jit3A : i32
      %sign3A = arith.constant 0 : i32
      %sign3A_45 = arith.cmpi sgt, %scan3A_43, %sign3A : i32
      %sign3A_46 = arith.extui %sign3A_45 : i1 to i32
      %sign3A_47 = arith.constant 0 : i32
      %sign3A_48 = arith.cmpi slt, %scan3A_43, %sign3A_47 : i32
      %sign3A_49 = arith.extui %sign3A_48 : i1 to i32
      %sign3A_50 = arith.subi %sign3A_46, %sign3A_49 : i32
      %sign3A_51 = arith.constant 0 : i32
      %sign3A_52 = arith.cmpi sgt, %jit3A, %sign3A_51 : i32
      %sign3A_53 = arith.extui %sign3A_52 : i1 to i32
      %sign3A_54 = arith.constant 0 : i32
      %sign3A_55 = arith.cmpi slt, %jit3A, %sign3A_54 : i32
      %sign3A_56 = arith.extui %sign3A_55 : i1 to i32
      %sign3A_57 = arith.subi %sign3A_53, %sign3A_56 : i32
      %ne3A = arith.cmpi ne, %sign3A_50, %sign3A_57 : i32
      %rem3A = arith.remsi %scan3A_43, %jit3A : i32
      %ne3A_58 = arith.constant 0 : i32
      %ne3A_59 = arith.cmpi ne, %rem3A, %ne3A_58 : i32
      %and3A = arith.andi %ne3A, %ne3A_59 : i1
      %sub3A = arith.constant 1 : i32
      %sub3A_60 = arith.subi %div3A, %sub3A : i32
      %select_n3A = arith.select %and3A, %sub3A_60, %div3A : i32
      %jit3A_61 = arith.constant 8 : i32
      %eq3A_62 = arith.constant 0 : i32
      %eq3A_63 = arith.cmpi eq, %jit3A_61, %eq3A_62 : i32
      %jit3A_64 = arith.constant 1 : i32
      %select_n3A_65 = arith.select %eq3A_63, %jit3A_64, %jit3A_61 : i32
      %rem3A_66 = arith.remsi %scan3A_43, %select_n3A_65 : i32
      %ne3A_67 = arith.constant 0 : i32
      %ne3A_68 = arith.cmpi ne, %rem3A_66, %ne3A_67 : i32
      %lt3A = arith.constant 0 : i32
      %lt3A_69 = arith.cmpi slt, %rem3A_66, %lt3A : i32
      %lt3A_70 = arith.constant 0 : i32
      %lt3A_71 = arith.cmpi slt, %select_n3A_65, %lt3A_70 : i32
      %ne3A_72 = arith.xori %lt3A_69, %lt3A_71 : i1
      %and3A_73 = arith.andi %ne3A_72, %ne3A_68 : i1
      %add3A_74 = arith.addi %rem3A_66, %select_n3A_65 : i32
      %select_n3A_75 = arith.select %and3A_73, %add3A_74, %rem3A_66 : i32
      %mul3A_76 = arith.constant 16 : i32
      %mul3A_77 = arith.muli %select_n3A_75, %mul3A_76 : i32
      %swap3A = arith.index_cast %select_n3A : i32 to index
      %swap3A_78 = arith.index_cast %mul3A_77 : i32 to index
      %swap3A_79 = tpu.vector_load %arg9[%swap3A, %swap3A_78] {strides = array<i32>} : memref<128x128xf32, #tpu.memory_space<vmem>>, vector<1x16xf32>,
      %swap3A_80 = vector.shape_cast %swap3A_79 : vector<1x16xf32> to vector<16xf32>
      %swap3A_81 = vector.shape_cast %broadcast_in_dim3A_1 : vector<16xf32> to vector<1x16xf32>
      tpu.vector_store %arg9[%swap3A, %swap3A_78], %swap3A_81 {strides = array<i32>} : memref<128x128xf32, #tpu.memory_space<vmem>>, vector<1x16xf32>,
      %scan3A_82 = arith.constant 0 : i32
      scf.yield %scan3A_82 : i32
    }
    %scan3A_7 = arith.constant 1024 : i32
    %mul3A_8 = arith.constant 640 : i32
    %mul3A_9 = arith.muli %arg1, %mul3A_8 : i32
    %add3A_10 = arith.constant 0 : i32
    %add3A_11 = arith.addi %mul3A_9, %add3A_10 : i32
    "tpu.region"() ({
      %run_scoped3A = tpu.sem_alloc : memref<!tpu.dma_semaphore, #tpu.memory_space<semaphore_mem>>
      %dma_start3A = arith.constant 0 : i32
      %dma_start3A_43 = tpu.memref_slice %arg11[%add3A_11, %dma_start3A] : memref<10240x128xf32, #tpu.memory_space<vmem_shared>> -> memref<128x128xf32, #tpu.memory_space<vmem_shared>>
      %dma_start3A_44 = arith.constant 0 : i32
      %dma_start3A_45 = tpu.memref_slice %arg11[%add3A_11, %dma_start3A_44] : memref<10240x128xf32, #tpu.memory_space<vmem_shared>> -> memref<128x128xf32, #tpu.memory_space<vmem_shared>>
      tpu.enqueue_dma source(%arg9 : memref<128x128xf32, #tpu.memory_space<vmem>>) target(%dma_start3A_45 : memref<128x128xf32, #tpu.memory_space<vmem_shared>>) target_semaphore(%run_scoped3A : memref<!tpu.dma_semaphore, #tpu.memory_space<semaphore_mem>>)
      %dma_wait3A = arith.constant 0 : i32
      %dma_wait3A_46 = tpu.memref_slice %arg11[%add3A_11, %dma_wait3A] : memref<10240x128xf32, #tpu.memory_space<vmem_shared>> -> memref<128x128xf32, #tpu.memory_space<vmem_shared>>
      %dma_wait3A_47 = arith.constant 0 : i32
      %dma_wait3A_48 = tpu.memref_slice %arg11[%add3A_11, %dma_wait3A_47] : memref<10240x128xf32, #tpu.memory_space<vmem_shared>> -> memref<128x128xf32, #tpu.memory_space<vmem_shared>>
      tpu.wait_dma2 semaphore(%run_scoped3A : memref<!tpu.dma_semaphore, #tpu.memory_space<semaphore_mem>>) src(%arg9 : memref<128x128xf32, #tpu.memory_space<vmem>>) dst(%dma_wait3A_48 : memref<128x128xf32, #tpu.memory_space<vmem_shared>>)
      tpu.yield
    }) : () -> ()
    %mul3A_12 = arith.constant 640 : i32
    %mul3A_13 = arith.muli %arg1, %mul3A_12 : i32
    %add3A_14 = arith.constant 128 : i32
    %add3A_15 = arith.addi %mul3A_13, %add3A_14 : i32
    "tpu.region"() ({
      %run_scoped3A = tpu.sem_alloc : memref<!tpu.dma_semaphore, #tpu.memory_space<semaphore_mem>>
      %dma_start3A = arith.constant 0 : i32
      %dma_start3A_43 = tpu.memref_slice %arg11[%add3A_15, %dma_start3A] : memref<10240x128xf32, #tpu.memory_space<vmem_shared>> -> memref<128x128xf32, #tpu.memory_space<vmem_shared>>
      %dma_start3A_44 = arith.constant 0 : i32
      %dma_start3A_45 = tpu.memref_slice %arg11[%add3A_15, %dma_start3A_44] : memref<10240x128xf32, #tpu.memory_space<vmem_shared>> -> memref<128x128xf32, #tpu.memory_space<vmem_shared>>
      tpu.enqueue_dma source(%arg9 : memref<128x128xf32, #tpu.memory_space<vmem>>) target(%dma_start3A_45 : memref<128x128xf32, #tpu.memory_space<vmem_shared>>) target_semaphore(%run_scoped3A : memref<!tpu.dma_semaphore, #tpu.memory_space<semaphore_mem>>)
      %dma_wait3A = arith.constant 0 : i32
      %dma_wait3A_46 = tpu.memref_slice %arg11[%add3A_15, %dma_wait3A] : memref<10240x128xf32, #tpu.memory_space<vmem_shared>> -> memref<128x128xf32, #tpu.memory_space<vmem_shared>>
      %dma_wait3A_47 = arith.constant 0 : i32
      %dma_wait3A_48 = tpu.memref_slice %arg11[%add3A_15, %dma_wait3A_47] : memref<10240x128xf32, #tpu.memory_space<vmem_shared>> -> memref<128x128xf32, #tpu.memory_space<vmem_shared>>
      tpu.wait_dma2 semaphore(%run_scoped3A : memref<!tpu.dma_semaphore, #tpu.memory_space<semaphore_mem>>) src(%arg9 : memref<128x128xf32, #tpu.memory_space<vmem>>) dst(%dma_wait3A_48 : memref<128x128xf32, #tpu.memory_space<vmem_shared>>)
      tpu.yield
    }) : () -> ()
    %mul3A_16 = arith.constant 640 : i32
    %mul3A_17 = arith.muli %arg1, %mul3A_16 : i32
    %add3A_18 = arith.constant 256 : i32
    %add3A_19 = arith.addi %mul3A_17, %add3A_18 : i32
    "tpu.region"() ({
      %run_scoped3A = tpu.sem_alloc : memref<!tpu.dma_semaphore, #tpu.memory_space<semaphore_mem>>
      %dma_start3A = arith.constant 0 : i32
      %dma_start3A_43 = tpu.memref_slice %arg11[%add3A_19, %dma_start3A] : memref<10240x128xf32, #tpu.memory_space<vmem_shared>> -> memref<128x128xf32, #tpu.memory_space<vmem_shared>>
      %dma_start3A_44 = arith.constant 0 : i32
      %dma_start3A_45 = tpu.memref_slice %arg11[%add3A_19, %dma_start3A_44] : memref<10240x128xf32, #tpu.memory_space<vmem_shared>> -> memref<128x128xf32, #tpu.memory_space<vmem_shared>>
      tpu.enqueue_dma source(%arg9 : memref<128x128xf32, #tpu.memory_space<vmem>>) target(%dma_start3A_45 : memref<128x128xf32, #tpu.memory_space<vmem_shared>>) target_semaphore(%run_scoped3A : memref<!tpu.dma_semaphore, #tpu.memory_space<semaphore_mem>>)
      %dma_wait3A = arith.constant 0 : i32
      %dma_wait3A_46 = tpu.memref_slice %arg11[%add3A_19, %dma_wait3A] : memref<10240x128xf32, #tpu.memory_space<vmem_shared>> -> memref<128x128xf32, #tpu.memory_space<vmem_shared>>
      %dma_wait3A_47 = arith.constant 0 : i32
      %dma_wait3A_48 = tpu.memref_slice %arg11[%add3A_19, %dma_wait3A_47] : memref<10240x128xf32, #tpu.memory_space<vmem_shared>> -> memref<128x128xf32, #tpu.memory_space<vmem_shared>>
      tpu.wait_dma2 semaphore(%run_scoped3A : memref<!tpu.dma_semaphore, #tpu.memory_space<semaphore_mem>>) src(%arg9 : memref<128x128xf32, #tpu.memory_space<vmem>>) dst(%dma_wait3A_48 : memref<128x128xf32, #tpu.memory_space<vmem_shared>>)
      tpu.yield
    }) : () -> ()
    %mul3A_20 = arith.constant 640 : i32
    %mul3A_21 = arith.muli %arg1, %mul3A_20 : i32
    %add3A_22 = arith.constant 384 : i32
    %add3A_23 = arith.addi %mul3A_21, %add3A_22 : i32
    "tpu.region"() ({
      %run_scoped3A = tpu.sem_alloc : memref<!tpu.dma_semaphore, #tpu.memory_space<semaphore_mem>>
      %dma_start3A = arith.constant 0 : i32
      %dma_start3A_43 = tpu.memref_slice %arg11[%add3A_23, %dma_start3A] : memref<10240x128xf32, #tpu.memory_space<vmem_shared>> -> memref<128x128xf32, #tpu.memory_space<vmem_shared>>
      %dma_start3A_44 = arith.constant 0 : i32
      %dma_start3A_45 = tpu.memref_slice %arg11[%add3A_23, %dma_start3A_44] : memref<10240x128xf32, #tpu.memory_space<vmem_shared>> -> memref<128x128xf32, #tpu.memory_space<vmem_shared>>
      tpu.enqueue_dma source(%arg9 : memref<128x128xf32, #tpu.memory_space<vmem>>) target(%dma_start3A_45 : memref<128x128xf32, #tpu.memory_space<vmem_shared>>) target_semaphore(%run_scoped3A : memref<!tpu.dma_semaphore, #tpu.memory_space<semaphore_mem>>)
      %dma_wait3A = arith.constant 0 : i32
      %dma_wait3A_46 = tpu.memref_slice %arg11[%add3A_23, %dma_wait3A] : memref<10240x128xf32, #tpu.memory_space<vmem_shared>> -> memref<128x128xf32, #tpu.memory_space<vmem_shared>>
      %dma_wait3A_47 = arith.constant 0 : i32
      %dma_wait3A_48 = tpu.memref_slice %arg11[%add3A_23, %dma_wait3A_47] : memref<10240x128xf32, #tpu.memory_space<vmem_shared>> -> memref<128x128xf32, #tpu.memory_space<vmem_shared>>
      tpu.wait_dma2 semaphore(%run_scoped3A : memref<!tpu.dma_semaphore, #tpu.memory_space<semaphore_mem>>) src(%arg9 : memref<128x128xf32, #tpu.memory_space<vmem>>) dst(%dma_wait3A_48 : memref<128x128xf32, #tpu.memory_space<vmem_shared>>)
      tpu.yield
    }) : () -> ()
    %mul3A_24 = arith.constant 640 : i32
    %mul3A_25 = arith.muli %arg1, %mul3A_24 : i32
    %add3A_26 = arith.constant 512 : i32
    %add3A_27 = arith.addi %mul3A_25, %add3A_26 : i32
    "tpu.region"() ({
      %run_scoped3A = tpu.sem_alloc : memref<!tpu.dma_semaphore, #tpu.memory_space<semaphore_mem>>
      %dma_start3A = arith.constant 0 : i32
      %dma_start3A_43 = tpu.memref_slice %arg11[%add3A_27, %dma_start3A] : memref<10240x128xf32, #tpu.memory_space<vmem_shared>> -> memref<128x128xf32, #tpu.memory_space<vmem_shared>>
      %dma_start3A_44 = arith.constant 0 : i32
      %dma_start3A_45 = tpu.memref_slice %arg11[%add3A_27, %dma_start3A_44] : memref<10240x128xf32, #tpu.memory_space<vmem_shared>> -> memref<128x128xf32, #tpu.memory_space<vmem_shared>>
      tpu.enqueue_dma source(%arg9 : memref<128x128xf32, #tpu.memory_space<vmem>>) target(%dma_start3A_45 : memref<128x128xf32, #tpu.memory_space<vmem_shared>>) target_semaphore(%run_scoped3A : memref<!tpu.dma_semaphore, #tpu.memory_space<semaphore_mem>>)
      %dma_wait3A = arith.constant 0 : i32
      %dma_wait3A_46 = tpu.memref_slice %arg11[%add3A_27, %dma_wait3A] : memref<10240x128xf32, #tpu.memory_space<vmem_shared>> -> memref<128x128xf32, #tpu.memory_space<vmem_shared>>
      %dma_wait3A_47 = arith.constant 0 : i32
      %dma_wait3A_48 = tpu.memref_slice %arg11[%add3A_27, %dma_wait3A_47] : memref<10240x128xf32, #tpu.memory_space<vmem_shared>> -> memref<128x128xf32, #tpu.memory_space<vmem_shared>>
      tpu.wait_dma2 semaphore(%run_scoped3A : memref<!tpu.dma_semaphore, #tpu.memory_space<semaphore_mem>>) src(%arg9 : memref<128x128xf32, #tpu.memory_space<vmem>>) dst(%dma_wait3A_48 : memref<128x128xf32, #tpu.memory_space<vmem_shared>>)
      tpu.yield
    }) : () -> ()
    %barrier3A = arith.constant 0 : index
    tpu.barrier barrier_id(%barrier3A)
    "tpu.region"() ({
      %run_scoped3A = tpu.sem_alloc : memref<!tpu.dma_semaphore, #tpu.memory_space<semaphore_mem>>
      %dma_start3A = arith.constant 0 : i32
      %dma_start3A_43 = arith.constant 0 : i32
      %dma_start3A_44 = tpu.memref_slice %arg3[%add3A, %dma_start3A, %dma_start3A_43] : memref<32x80x128xi32, #tpu.memory_space<hbm>> -> memref<1x80x128xi32, #tpu.memory_space<hbm>>
      %dma_start3A_45 = tpu.memref_squeeze %dma_start3A_44 : memref<1x80x128xi32, #tpu.memory_space<hbm>> -> memref<80x128xi32, #tpu.memory_space<hbm>>
      %dma_start3A_46 = arith.constant 0 : i32
      %dma_start3A_47 = arith.constant 0 : i32
      %dma_start3A_48 = tpu.memref_slice %arg3[%add3A, %dma_start3A_46, %dma_start3A_47] : memref<32x80x128xi32, #tpu.memory_space<hbm>> -> memref<1x80x128xi32, #tpu.memory_space<hbm>>
      %dma_start3A_49 = tpu.memref_squeeze %dma_start3A_48 : memref<1x80x128xi32, #tpu.memory_space<hbm>> -> memref<80x128xi32, #tpu.memory_space<hbm>>
      tpu.enqueue_dma source(%dma_start3A_49 : memref<80x128xi32, #tpu.memory_space<hbm>>) target(%arg7 : memref<80x128xi32, #tpu.memory_space<vmem>>) target_semaphore(%run_scoped3A : memref<!tpu.dma_semaphore, #tpu.memory_space<semaphore_mem>>)
      %dma_wait3A = arith.constant 0 : i32
      %dma_wait3A_50 = arith.constant 0 : i32
      %dma_wait3A_51 = tpu.memref_slice %arg3[%add3A, %dma_wait3A, %dma_wait3A_50] : memref<32x80x128xi32, #tpu.memory_space<hbm>> -> memref<1x80x128xi32, #tpu.memory_space<hbm>>
      %dma_wait3A_52 = tpu.memref_squeeze %dma_wait3A_51 : memref<1x80x128xi32, #tpu.memory_space<hbm>> -> memref<80x128xi32, #tpu.memory_space<hbm>>
      %dma_wait3A_53 = arith.constant 0 : i32
      %dma_wait3A_54 = arith.constant 0 : i32
      %dma_wait3A_55 = tpu.memref_slice %arg3[%add3A, %dma_wait3A_53, %dma_wait3A_54] : memref<32x80x128xi32, #tpu.memory_space<hbm>> -> memref<1x80x128xi32, #tpu.memory_space<hbm>>
      %dma_wait3A_56 = tpu.memref_squeeze %dma_wait3A_55 : memref<1x80x128xi32, #tpu.memory_space<hbm>> -> memref<80x128xi32, #tpu.memory_space<hbm>>
      tpu.wait_dma2 semaphore(%run_scoped3A : memref<!tpu.dma_semaphore, #tpu.memory_space<semaphore_mem>>) src(%dma_wait3A_56 : memref<80x128xi32, #tpu.memory_space<hbm>>) dst(%arg7 : memref<80x128xi32, #tpu.memory_space<vmem>>)
      tpu.yield
    }) : () -> ()
    "tpu.region"() ({
      %run_scoped3A = tpu.sem_alloc : memref<!tpu.dma_semaphore, #tpu.memory_space<semaphore_mem>>
      %dma_start3A = arith.constant 0 : i32
      %dma_start3A_43 = arith.constant 0 : i32
      %dma_start3A_44 = tpu.memref_slice %arg4[%add3A, %dma_start3A, %dma_start3A_43] : memref<32x80x128xi32, #tpu.memory_space<hbm>> -> memref<1x80x128xi32, #tpu.memory_space<hbm>>
      %dma_start3A_45 = tpu.memref_squeeze %dma_start3A_44 : memref<1x80x128xi32, #tpu.memory_space<hbm>> -> memref<80x128xi32, #tpu.memory_space<hbm>>
      %dma_start3A_46 = arith.constant 0 : i32
      %dma_start3A_47 = arith.constant 0 : i32
      %dma_start3A_48 = tpu.memref_slice %arg4[%add3A, %dma_start3A_46, %dma_start3A_47] : memref<32x80x128xi32, #tpu.memory_space<hbm>> -> memref<1x80x128xi32, #tpu.memory_space<hbm>>
      %dma_start3A_49 = tpu.memref_squeeze %dma_start3A_48 : memref<1x80x128xi32, #tpu.memory_space<hbm>> -> memref<80x128xi32, #tpu.memory_space<hbm>>
      tpu.enqueue_dma source(%dma_start3A_49 : memref<80x128xi32, #tpu.memory_space<hbm>>) target(%arg8 : memref<80x128xi32, #tpu.memory_space<vmem>>) target_semaphore(%run_scoped3A : memref<!tpu.dma_semaphore, #tpu.memory_space<semaphore_mem>>)
      %dma_wait3A = arith.constant 0 : i32
      %dma_wait3A_50 = arith.constant 0 : i32
      %dma_wait3A_51 = tpu.memref_slice %arg4[%add3A, %dma_wait3A, %dma_wait3A_50] : memref<32x80x128xi32, #tpu.memory_space<hbm>> -> memref<1x80x128xi32, #tpu.memory_space<hbm>>
      %dma_wait3A_52 = tpu.memref_squeeze %dma_wait3A_51 : memref<1x80x128xi32, #tpu.memory_space<hbm>> -> memref<80x128xi32, #tpu.memory_space<hbm>>
      %dma_wait3A_53 = arith.constant 0 : i32
      %dma_wait3A_54 = arith.constant 0 : i32
      %dma_wait3A_55 = tpu.memref_slice %arg4[%add3A, %dma_wait3A_53, %dma_wait3A_54] : memref<32x80x128xi32, #tpu.memory_space<hbm>> -> memref<1x80x128xi32, #tpu.memory_space<hbm>>
      %dma_wait3A_56 = tpu.memref_squeeze %dma_wait3A_55 : memref<1x80x128xi32, #tpu.memory_space<hbm>> -> memref<80x128xi32, #tpu.memory_space<hbm>>
      tpu.wait_dma2 semaphore(%run_scoped3A : memref<!tpu.dma_semaphore, #tpu.memory_space<semaphore_mem>>) src(%dma_wait3A_56 : memref<80x128xi32, #tpu.memory_space<hbm>>) dst(%arg8 : memref<80x128xi32, #tpu.memory_space<vmem>>)
      tpu.yield
    }) : () -> ()
    %scan3A_28 = arith.constant 0 : i32
    %scan3A_29 = arith.constant 0 : i32
    %scan3A_30 = arith.constant 80 : i32
    %scan3A_31 = arith.addi %scan3A_29, %scan3A_30 : i32
    %scan3A_32 = arith.constant 1 : i32
    %scan3A_33 = scf.for %scan3A_43 = %scan3A_29 to %scan3A_31 step %scan3A_32 iter_args(%scan3A_44 = %scan3A_28) -> (i32)  : i32 {
      "tpu.region"() ({
        %run_scoped3A = tpu.sem_alloc : memref<!tpu.dma_semaphore, #tpu.memory_space<semaphore_mem>>
        %dma_start3A = arith.constant 0 : i32
        %dma_start3A_46 = tpu.memref_slice %arg7[%scan3A_43, %dma_start3A] : memref<80x128xi32, #tpu.memory_space<vmem>> -> memref<1x128xi32, #tpu.memory_space<vmem>>
        %dma_start3A_47 = tpu.memref_squeeze %dma_start3A_46 : memref<1x128xi32, #tpu.memory_space<vmem>> -> memref<128xi32, #tpu.memory_space<vmem>>
        %dma_start3A_48 = arith.constant 0 : i32
        %dma_start3A_49 = arith.constant 0 : i32
        %dma_start3A_50 = tpu.memref_slice %arg2[%dma_start3A_48, %dma_start3A_49] : memref<10240x128xf32, #tpu.memory_space<hbm>> -> memref<10240x128xf32, #tpu.memory_space<hbm>>
        tpu.enqueue_indirect_dma source(%dma_start3A_50 : memref<10240x128xf32, #tpu.memory_space<hbm>>) target(%arg9 : memref<128x128xf32, #tpu.memory_space<vmem>>) offsets(%dma_start3A_47 : memref<128xi32, #tpu.memory_space<vmem>>) semaphore(%run_scoped3A : memref<!tpu.dma_semaphore, #tpu.memory_space<semaphore_mem>>)
        %dma_wait3A = arith.constant 0 : i32
        %dma_wait3A_51 = tpu.memref_slice %arg7[%scan3A_43, %dma_wait3A] : memref<80x128xi32, #tpu.memory_space<vmem>> -> memref<1x128xi32, #tpu.memory_space<vmem>>
        %dma_wait3A_52 = tpu.memref_squeeze %dma_wait3A_51 : memref<1x128xi32, #tpu.memory_space<vmem>> -> memref<128xi32, #tpu.memory_space<vmem>>
        %dma_wait3A_53 = arith.constant 0 : i32
        %dma_wait3A_54 = arith.constant 0 : i32
        %dma_wait3A_55 = tpu.memref_slice %arg2[%dma_wait3A_53, %dma_wait3A_54] : memref<10240x128xf32, #tpu.memory_space<hbm>> -> memref<10240x128xf32, #tpu.memory_space<hbm>>
        tpu.wait_indirect_dma semaphore(%run_scoped3A : memref<!tpu.dma_semaphore, #tpu.memory_space<semaphore_mem>>) src(%dma_wait3A_55 : memref<10240x128xf32, #tpu.memory_space<hbm>>) dst(%arg9 : memref<128x128xf32, #tpu.memory_space<vmem>>)
        tpu.yield
      }) : () -> ()
      "tpu.region"() ({
        %run_scoped3A = tpu.sem_alloc : memref<!tpu.dma_semaphore, #tpu.memory_space<semaphore_mem>>
        %dma_start3A = arith.constant 0 : i32
        %dma_start3A_46 = tpu.memref_slice %arg8[%scan3A_43, %dma_start3A] : memref<80x128xi32, #tpu.memory_space<vmem>> -> memref<1x128xi32, #tpu.memory_space<vmem>>
        %dma_start3A_47 = tpu.memref_squeeze %dma_start3A_46 : memref<1x128xi32, #tpu.memory_space<vmem>> -> memref<128xi32, #tpu.memory_space<vmem>>
        %dma_start3A_48 = arith.constant 0 : i32
        %dma_start3A_49 = arith.constant 0 : i32
        %dma_start3A_50 = tpu.memref_slice %arg11[%dma_start3A_48, %dma_start3A_49] : memref<10240x128xf32, #tpu.memory_space<vmem_shared>> -> memref<10240x128xf32, #tpu.memory_space<vmem_shared>>
        tpu.enqueue_indirect_dma source(%arg9 : memref<128x128xf32, #tpu.memory_space<vmem>>) target(%dma_start3A_50 : memref<10240x128xf32, #tpu.memory_space<vmem_shared>>) offsets(%dma_start3A_47 : memref<128xi32, #tpu.memory_space<vmem>>) semaphore(%run_scoped3A : memref<!tpu.dma_semaphore, #tpu.memory_space<semaphore_mem>>) {add = true}
        %dma_wait3A = arith.constant 0 : i32
        %dma_wait3A_51 = tpu.memref_slice %arg8[%scan3A_43, %dma_wait3A] : memref<80x128xi32, #tpu.memory_space<vmem>> -> memref<1x128xi32, #tpu.memory_space<vmem>>
        %dma_wait3A_52 = tpu.memref_squeeze %dma_wait3A_51 : memref<1x128xi32, #tpu.memory_space<vmem>> -> memref<128xi32, #tpu.memory_space<vmem>>
        %dma_wait3A_53 = arith.constant 0 : i32
        %dma_wait3A_54 = arith.constant 0 : i32
        %dma_wait3A_55 = tpu.memref_slice %arg11[%dma_wait3A_53, %dma_wait3A_54] : memref<10240x128xf32, #tpu.memory_space<vmem_shared>> -> memref<10240x128xf32, #tpu.memory_space<vmem_shared>>
        tpu.wait_indirect_dma semaphore(%run_scoped3A : memref<!tpu.dma_semaphore, #tpu.memory_space<semaphore_mem>>) src(%arg9 : memref<128x128xf32, #tpu.memory_space<vmem>>) dst(%dma_wait3A_55 : memref<10240x128xf32, #tpu.memory_space<vmem_shared>>)
        tpu.yield
      }) : () -> ()
      %scan3A_45 = arith.constant 0 : i32
      scf.yield %scan3A_45 : i32
    }
    %scan3A_34 = arith.constant 80 : i32
    %barrier3A_35 = arith.constant 0 : index
    tpu.barrier barrier_id(%barrier3A_35)
    %eq3A = arith.constant 0 : i32
    %eq3A_36 = arith.cmpi eq, %arg0, %eq3A : i32
    %convert_element_type3A = arith.extui %eq3A_36 : i1 to i32
    %cond3A = arith.constant 0 : i32
    %cond3A_37 = arith.cmpi ne, %convert_element_type3A, %cond3A : i32
    scf.if %cond3A_37 {
      %mul3A_43 = arith.constant 640 : i32
      %mul3A_44 = arith.muli %arg1, %mul3A_43 : i32
      %mul3A_45 = arith.constant 640 : i32
      %mul3A_46 = arith.muli %arg1, %mul3A_45 : i32
      "tpu.region"() ({
        %run_scoped3A = tpu.sem_alloc : memref<!tpu.dma_semaphore, #tpu.memory_space<semaphore_mem>>
        %dma_start3A = arith.constant 0 : i32
        %dma_start3A_47 = tpu.memref_slice %arg5[%mul3A_46, %dma_start3A] : memref<10240x128xf32, #tpu.memory_space<hbm>> -> memref<640x128xf32, #tpu.memory_space<hbm>>
        %dma_start3A_48 = arith.constant 0 : i32
        %dma_start3A_49 = tpu.memref_slice %arg11[%mul3A_44, %dma_start3A_48] : memref<10240x128xf32, #tpu.memory_space<vmem_shared>> -> memref<640x128xf32, #tpu.memory_space<vmem_shared>>
        tpu.enqueue_dma source(%dma_start3A_49 : memref<640x128xf32, #tpu.memory_space<vmem_shared>>) target(%dma_start3A_47 : memref<640x128xf32, #tpu.memory_space<hbm>>) target_semaphore(%run_scoped3A : memref<!tpu.dma_semaphore, #tpu.memory_space<semaphore_mem>>)
        %dma_wait3A = arith.constant 0 : i32
        %dma_wait3A_50 = tpu.memref_slice %arg5[%mul3A_46, %dma_wait3A] : memref<10240x128xf32, #tpu.memory_space<hbm>> -> memref<640x128xf32, #tpu.memory_space<hbm>>
        %dma_wait3A_51 = arith.constant 0 : i32
        %dma_wait3A_52 = tpu.memref_slice %arg11[%mul3A_44, %dma_wait3A_51] : memref<10240x128xf32, #tpu.memory_space<vmem_shared>> -> memref<640x128xf32, #tpu.memory_space<vmem_shared>>
        tpu.wait_dma2 semaphore(%run_scoped3A : memref<!tpu.dma_semaphore, #tpu.memory_space<semaphore_mem>>) src(%dma_wait3A_52 : memref<640x128xf32, #tpu.memory_space<vmem_shared>>) dst(%dma_wait3A_50 : memref<640x128xf32, #tpu.memory_space<hbm>>)
        tpu.yield
      }) : () -> ()
    } else {
    }
    %eq3A_38 = arith.constant 1 : i32
    %eq3A_39 = arith.cmpi eq, %arg0, %eq3A_38 : i32
    %convert_element_type3A_40 = arith.extui %eq3A_39 : i1 to i32
    %cond3A_41 = arith.constant 0 : i32
    %cond3A_42 = arith.cmpi ne, %convert_element_type3A_40, %cond3A_41 : i32
    scf.if %cond3A_42 {
      %mul3A_43 = arith.constant 640 : i32
      %mul3A_44 = arith.muli %arg1, %mul3A_43 : i32
      %mul3A_45 = arith.constant 640 : i32
      %mul3A_46 = arith.muli %arg1, %mul3A_45 : i32
      "tpu.region"() ({
        %run_scoped3A = tpu.sem_alloc : memref<!tpu.dma_semaphore, #tpu.memory_space<semaphore_mem>>
        %dma_start3A = arith.constant 0 : i32
        %dma_start3A_47 = tpu.memref_slice %arg6[%mul3A_46, %dma_start3A] : memref<10240x128xf32, #tpu.memory_space<hbm>> -> memref<640x128xf32, #tpu.memory_space<hbm>>
        %dma_start3A_48 = arith.constant 0 : i32
        %dma_start3A_49 = tpu.memref_slice %arg11[%mul3A_44, %dma_start3A_48] : memref<10240x128xf32, #tpu.memory_space<vmem_shared>> -> memref<640x128xf32, #tpu.memory_space<vmem_shared>>
        tpu.enqueue_dma source(%dma_start3A_49 : memref<640x128xf32, #tpu.memory_space<vmem_shared>>) target(%dma_start3A_47 : memref<640x128xf32, #tpu.memory_space<hbm>>) target_semaphore(%run_scoped3A : memref<!tpu.dma_semaphore, #tpu.memory_space<semaphore_mem>>)
        %dma_wait3A = arith.constant 0 : i32
        %dma_wait3A_50 = tpu.memref_slice %arg6[%mul3A_46, %dma_wait3A] : memref<10240x128xf32, #tpu.memory_space<hbm>> -> memref<640x128xf32, #tpu.memory_space<hbm>>
        %dma_wait3A_51 = arith.constant 0 : i32
        %dma_wait3A_52 = tpu.memref_slice %arg11[%mul3A_44, %dma_wait3A_51] : memref<10240x128xf32, #tpu.memory_space<vmem_shared>> -> memref<640x128xf32, #tpu.memory_space<vmem_shared>>
        tpu.wait_dma2 semaphore(%run_scoped3A : memref<!tpu.dma_semaphore, #tpu.memory_space<semaphore_mem>>) src(%dma_wait3A_52 : memref<640x128xf32, #tpu.memory_space<vmem_shared>>) dst(%dma_wait3A_50 : memref<640x128xf32, #tpu.memory_space<hbm>>)
        tpu.yield
      }) : () -> ()
    } else {
    }
    return
  }
}

module attributes {stable_mosaic.version = 14 : i64} {
  func.func @body(%arg0: i32, %arg1: memref<1024x128xf32, #tpu.memory_space<vmem>>, %arg2: memref<128x128xf32, #tpu.memory_space<vmem>>, %arg3: memref<1024x16xf32, #tpu.memory_space<vmem>>, %arg4: memref<1024x16xf32, #tpu.memory_space<vmem>>, %arg5: memref<1024x128xf32, #tpu.memory_space<vmem>>) attributes {dimension_semantics = [#tpu.dimension_semantics<arbitrary>], iteration_bounds = array<i64: 10>, scalar_prefetch = 0 : i64, scratch_operands = 0 : i64, tpu.core_type = #tpu.core_type<tc>, window_params = [{transform_indices = @transform_0, window_bounds = array<i64: 1024, 128>}, {pipeline_mode = #tpu.pipeline_mode<synchronous>, transform_indices = @transform_1, window_bounds = array<i64: 128, 128>}, {transform_indices = @transform_2, window_bounds = array<i64: 1024, 16>}, {transform_indices = @transform_3, window_bounds = array<i64: 1024, 16>}, {transform_indices = @transform_4, window_bounds = array<i64: 1024, 128>}]} {
    %get3A = arith.constant 0 : index
    %get3A_0 = arith.constant 0 : index
    %get3A_1 = vector.load %arg3[%get3A, %get3A_0] : memref<1024x16xf32, #tpu.memory_space<vmem>>, vector<1024x16xf32>
    %get3A_2 = arith.constant 0 : index
    %get3A_3 = arith.constant 0 : index
    %get3A_4 = vector.load %arg4[%get3A_2, %get3A_3] : memref<1024x16xf32, #tpu.memory_space<vmem>>, vector<1024x16xf32>
    %slice3A = vector.extract_strided_slice %get3A_1 {offsets = [0, 0], sizes = [1024, 1], strides = [1, 1]} : vector<1024x16xf32> to vector<1024x1xf32>
    %slice3A_5 = vector.extract_strided_slice %get3A_4 {offsets = [0, 0], sizes = [1024, 1], strides = [1, 1]} : vector<1024x16xf32> to vector<1024x1xf32>
    %add3A = arith.addf %slice3A, %slice3A_5 : vector<1024x1xf32>
    %add3A_6 = arith.constant 1.000000e+00 : f32
    %add3A_7 = vector.broadcast %add3A_6 : f32 to vector<1024x1xf32>
    %add3A_8 = arith.addf %add3A, %add3A_7 : vector<1024x1xf32>
    %rsqrt3A = math.rsqrt %add3A_8 : vector<1024x1xf32>
    %get3A_9 = arith.constant 0 : index
    %get3A_10 = arith.constant 0 : index
    %get3A_11 = vector.load %arg1[%get3A_9, %get3A_10] : memref<1024x128xf32, #tpu.memory_space<vmem>>, vector<1024x128xf32>
    %get3A_12 = arith.constant 0 : index
    %get3A_13 = arith.constant 0 : index
    %get3A_14 = vector.load %arg2[%get3A_12, %get3A_13] : memref<128x128xf32, #tpu.memory_space<vmem>>, vector<128x128xf32>
    %dot_general3A = arith.constant dense<0.000000e+00> : vector<1024x128xf32>
    %dot_general3A_15 = tpu.matmul %get3A_11, %get3A_14, %dot_general3A {dimension_numbers = #tpu.dot_dimension_numbers<[1], [0], [0], [1], [0, 0, 1, 1], [], []>, transpose_lhs_hint = false} : vector<1024x128xf32>, vector<128x128xf32>, vector<1024x128xf32> -> vector<1024x128xf32>
    %mul3A = vector.broadcast %rsqrt3A : vector<1024x1xf32> to vector<1024x128xf32>
    %mul3A_16 = arith.mulf %dot_general3A_15, %mul3A : vector<1024x128xf32>
    %swap3A = arith.constant 0 : index
    %swap3A_17 = arith.constant 0 : index
    %swap3A_18 = vector.load %arg5[%swap3A, %swap3A_17] : memref<1024x128xf32, #tpu.memory_space<vmem>>, vector<1024x128xf32>
    tpu.vector_store %arg5[%swap3A, %swap3A_17], %mul3A_16 {strides = array<i32>} : memref<1024x128xf32, #tpu.memory_space<vmem>>, vector<1024x128xf32>,
    return
  }
  func.func @transform_0(%arg0: i32) -> (i32, i32) {
    %c0_i32 = arith.constant 0 : i32
    %c0_i32_0 = arith.constant 0 : i32
    return %arg0, %c0_i32 : i32, i32
  }
  func.func @transform_1(%arg0: i32) -> (i32, i32) {
    %c0_i32 = arith.constant 0 : i32
    %c0_i32_0 = arith.constant 0 : i32
    %c0_i32_1 = arith.constant 0 : i32
    return %c0_i32, %c0_i32_0 : i32, i32
  }
  func.func @transform_2(%arg0: i32) -> (i32, i32) {
    %c0_i32 = arith.constant 0 : i32
    %c0_i32_0 = arith.constant 0 : i32
    return %arg0, %c0_i32 : i32, i32
  }
  func.func @transform_3(%arg0: i32) -> (i32, i32) {
    %c0_i32 = arith.constant 0 : i32
    %c0_i32_0 = arith.constant 0 : i32
    return %arg0, %c0_i32 : i32, i32
  }
  func.func @transform_4(%arg0: i32) -> (i32, i32) {
    %c0_i32 = arith.constant 0 : i32
    %c0_i32_0 = arith.constant 0 : i32
    return %arg0, %c0_i32 : i32, i32
  }
}

module attributes {stable_mosaic.version = 14 : i64} {
  func.func @body(%arg0: i32, %arg1: memref<1024x128xf32, #tpu.memory_space<vmem>>, %arg2: memref<1024x128xf32, #tpu.memory_space<vmem>>, %arg3: memref<1024x128xf32, #tpu.memory_space<vmem>>, %arg4: memref<1024x16xf32, #tpu.memory_space<vmem>>, %arg5: memref<1024x16xf32, #tpu.memory_space<vmem>>, %arg6: memref<128x128xf32, #tpu.memory_space<vmem>>, %arg7: memref<1x128xf32, #tpu.memory_space<vmem>>, %arg8: memref<1024x128xf32, #tpu.memory_space<vmem>>) attributes {dimension_semantics = [#tpu.dimension_semantics<arbitrary>], iteration_bounds = array<i64: 10>, scalar_prefetch = 0 : i64, scratch_operands = 0 : i64, tpu.core_type = #tpu.core_type<tc>, window_params = [{transform_indices = @transform_0, window_bounds = array<i64: 1024, 128>}, {transform_indices = @transform_1, window_bounds = array<i64: 1024, 128>}, {transform_indices = @transform_2, window_bounds = array<i64: 1024, 128>}, {transform_indices = @transform_3, window_bounds = array<i64: 1024, 16>}, {transform_indices = @transform_4, window_bounds = array<i64: 1024, 16>}, {pipeline_mode = #tpu.pipeline_mode<synchronous>, transform_indices = @transform_5, window_bounds = array<i64: 128, 128>}, {pipeline_mode = #tpu.pipeline_mode<synchronous>, transform_indices = @transform_6, window_bounds = array<i64: 1, 128>}, {transform_indices = @transform_7, window_bounds = array<i64: 1024, 128>}]} {
    %get3A = arith.constant 0 : index
    %get3A_0 = arith.constant 0 : index
    %get3A_1 = vector.load %arg4[%get3A, %get3A_0] : memref<1024x16xf32, #tpu.memory_space<vmem>>, vector<1024x16xf32>
    %get3A_2 = arith.constant 0 : index
    %get3A_3 = arith.constant 0 : index
    %get3A_4 = vector.load %arg5[%get3A_2, %get3A_3] : memref<1024x16xf32, #tpu.memory_space<vmem>>, vector<1024x16xf32>
    %slice3A = vector.extract_strided_slice %get3A_1 {offsets = [0, 0], sizes = [1024, 1], strides = [1, 1]} : vector<1024x16xf32> to vector<1024x1xf32>
    %slice3A_5 = vector.extract_strided_slice %get3A_4 {offsets = [0, 0], sizes = [1024, 1], strides = [1, 1]} : vector<1024x16xf32> to vector<1024x1xf32>
    %add3A = arith.addf %slice3A, %slice3A_5 : vector<1024x1xf32>
    %add3A_6 = arith.constant 1.000000e+00 : f32
    %add3A_7 = vector.broadcast %add3A_6 : f32 to vector<1024x1xf32>
    %add3A_8 = arith.addf %add3A, %add3A_7 : vector<1024x1xf32>
    %rsqrt3A = math.rsqrt %add3A_8 : vector<1024x1xf32>
    %get3A_9 = arith.constant 0 : index
    %get3A_10 = arith.constant 0 : index
    %get3A_11 = vector.load %arg1[%get3A_9, %get3A_10] : memref<1024x128xf32, #tpu.memory_space<vmem>>, vector<1024x128xf32>
    %get3A_12 = arith.constant 0 : index
    %get3A_13 = arith.constant 0 : index
    %get3A_14 = vector.load %arg2[%get3A_12, %get3A_13] : memref<1024x128xf32, #tpu.memory_space<vmem>>, vector<1024x128xf32>
    %add3A_15 = arith.addf %get3A_11, %get3A_14 : vector<1024x128xf32>
    %get3A_16 = arith.constant 0 : index
    %get3A_17 = arith.constant 0 : index
    %get3A_18 = vector.load %arg3[%get3A_16, %get3A_17] : memref<1024x128xf32, #tpu.memory_space<vmem>>, vector<1024x128xf32>
    %add3A_19 = arith.addf %add3A_15, %get3A_18 : vector<1024x128xf32>
    %mul3A = vector.broadcast %rsqrt3A : vector<1024x1xf32> to vector<1024x128xf32>
    %mul3A_20 = arith.mulf %mul3A, %add3A_19 : vector<1024x128xf32>
    %get3A_21 = arith.constant 0 : index
    %get3A_22 = arith.constant 0 : index
    %get3A_23 = vector.load %arg7[%get3A_21, %get3A_22] : memref<1x128xf32, #tpu.memory_space<vmem>>, vector<1x128xf32>
    %add3A_24 = vector.broadcast %get3A_23 : vector<1x128xf32> to vector<1024x128xf32>
    %add3A_25 = arith.addf %mul3A_20, %add3A_24 : vector<1024x128xf32>
    %max3A = arith.constant 0.000000e+00 : f32
    %max3A_26 = vector.broadcast %max3A : f32 to vector<1024x128xf32>
    %max3A_27 = arith.maximumf %add3A_25, %max3A_26 : vector<1024x128xf32>
    %get3A_28 = arith.constant 0 : index
    %get3A_29 = arith.constant 0 : index
    %get3A_30 = vector.load %arg6[%get3A_28, %get3A_29] : memref<128x128xf32, #tpu.memory_space<vmem>>, vector<128x128xf32>
    %dot_general3A = arith.constant dense<0.000000e+00> : vector<1024x128xf32>
    %dot_general3A_31 = tpu.matmul %max3A_27, %get3A_30, %dot_general3A {dimension_numbers = #tpu.dot_dimension_numbers<[1], [0], [0], [1], [0, 0, 1, 1], [], []>, transpose_lhs_hint = false} : vector<1024x128xf32>, vector<128x128xf32>, vector<1024x128xf32> -> vector<1024x128xf32>
    %mul3A_32 = vector.broadcast %rsqrt3A : vector<1024x1xf32> to vector<1024x128xf32>
    %mul3A_33 = arith.mulf %dot_general3A_31, %mul3A_32 : vector<1024x128xf32>
    %swap3A = arith.constant 0 : index
    %swap3A_34 = arith.constant 0 : index
    %swap3A_35 = vector.load %arg8[%swap3A, %swap3A_34] : memref<1024x128xf32, #tpu.memory_space<vmem>>, vector<1024x128xf32>
    tpu.vector_store %arg8[%swap3A, %swap3A_34], %mul3A_33 {strides = array<i32>} : memref<1024x128xf32, #tpu.memory_space<vmem>>, vector<1024x128xf32>,
    return
  }
  func.func @transform_0(%arg0: i32) -> (i32, i32) {
    %c0_i32 = arith.constant 0 : i32
    %c0_i32_0 = arith.constant 0 : i32
    return %arg0, %c0_i32 : i32, i32
  }
  func.func @transform_1(%arg0: i32) -> (i32, i32) {
    %c0_i32 = arith.constant 0 : i32
    %c0_i32_0 = arith.constant 0 : i32
    return %arg0, %c0_i32 : i32, i32
  }
  func.func @transform_2(%arg0: i32) -> (i32, i32) {
    %c0_i32 = arith.constant 0 : i32
    %c0_i32_0 = arith.constant 0 : i32
    return %arg0, %c0_i32 : i32, i32
  }
  func.func @transform_3(%arg0: i32) -> (i32, i32) {
    %c0_i32 = arith.constant 0 : i32
    %c0_i32_0 = arith.constant 0 : i32
    return %arg0, %c0_i32 : i32, i32
  }
  func.func @transform_4(%arg0: i32) -> (i32, i32) {
    %c0_i32 = arith.constant 0 : i32
    %c0_i32_0 = arith.constant 0 : i32
    return %arg0, %c0_i32 : i32, i32
  }
  func.func @transform_5(%arg0: i32) -> (i32, i32) {
    %c0_i32 = arith.constant 0 : i32
    %c0_i32_0 = arith.constant 0 : i32
    %c0_i32_1 = arith.constant 0 : i32
    return %c0_i32, %c0_i32_0 : i32, i32
  }
  func.func @transform_6(%arg0: i32) -> (i32, i32) {
    %c0_i32 = arith.constant 0 : i32
    %c0_i32_0 = arith.constant 0 : i32
    %c0_i32_1 = arith.constant 0 : i32
    return %c0_i32, %c0_i32_0 : i32, i32
  }
  func.func @transform_7(%arg0: i32) -> (i32, i32) {
    %c0_i32 = arith.constant 0 : i32
    %c0_i32_0 = arith.constant 0 : i32
    return %arg0, %c0_i32 : i32, i32
  }
}

module attributes {stable_mosaic.version = 14 : i64} {
  func.func @body(%arg0: i32, %arg1: memref<1024x128xf32, #tpu.memory_space<vmem>>, %arg2: memref<1024x128xf32, #tpu.memory_space<vmem>>, %arg3: memref<1024x128xf32, #tpu.memory_space<vmem>>, %arg4: memref<1024x16xf32, #tpu.memory_space<vmem>>, %arg5: memref<1024x16xf32, #tpu.memory_space<vmem>>, %arg6: memref<1x128xf32, #tpu.memory_space<vmem>>, %arg7: memref<1024x128xf32, #tpu.memory_space<vmem>>) attributes {dimension_semantics = [#tpu.dimension_semantics<arbitrary>], iteration_bounds = array<i64: 10>, scalar_prefetch = 0 : i64, scratch_operands = 0 : i64, tpu.core_type = #tpu.core_type<tc>, window_params = [{transform_indices = @transform_0, window_bounds = array<i64: 1024, 128>}, {transform_indices = @transform_1, window_bounds = array<i64: 1024, 128>}, {transform_indices = @transform_2, window_bounds = array<i64: 1024, 128>}, {transform_indices = @transform_3, window_bounds = array<i64: 1024, 16>}, {transform_indices = @transform_4, window_bounds = array<i64: 1024, 16>}, {pipeline_mode = #tpu.pipeline_mode<synchronous>, transform_indices = @transform_5, window_bounds = array<i64: 1, 128>}, {transform_indices = @transform_6, window_bounds = array<i64: 1024, 128>}]} {
    %get3A = arith.constant 0 : index
    %get3A_0 = arith.constant 0 : index
    %get3A_1 = vector.load %arg4[%get3A, %get3A_0] : memref<1024x16xf32, #tpu.memory_space<vmem>>, vector<1024x16xf32>
    %get3A_2 = arith.constant 0 : index
    %get3A_3 = arith.constant 0 : index
    %get3A_4 = vector.load %arg5[%get3A_2, %get3A_3] : memref<1024x16xf32, #tpu.memory_space<vmem>>, vector<1024x16xf32>
    %slice3A = vector.extract_strided_slice %get3A_1 {offsets = [0, 0], sizes = [1024, 1], strides = [1, 1]} : vector<1024x16xf32> to vector<1024x1xf32>
    %slice3A_5 = vector.extract_strided_slice %get3A_4 {offsets = [0, 0], sizes = [1024, 1], strides = [1, 1]} : vector<1024x16xf32> to vector<1024x1xf32>
    %add3A = arith.addf %slice3A, %slice3A_5 : vector<1024x1xf32>
    %add3A_6 = arith.constant 1.000000e+00 : f32
    %add3A_7 = vector.broadcast %add3A_6 : f32 to vector<1024x1xf32>
    %add3A_8 = arith.addf %add3A, %add3A_7 : vector<1024x1xf32>
    %rsqrt3A = math.rsqrt %add3A_8 : vector<1024x1xf32>
    %get3A_9 = arith.constant 0 : index
    %get3A_10 = arith.constant 0 : index
    %get3A_11 = vector.load %arg1[%get3A_9, %get3A_10] : memref<1024x128xf32, #tpu.memory_space<vmem>>, vector<1024x128xf32>
    %get3A_12 = arith.constant 0 : index
    %get3A_13 = arith.constant 0 : index
    %get3A_14 = vector.load %arg2[%get3A_12, %get3A_13] : memref<1024x128xf32, #tpu.memory_space<vmem>>, vector<1024x128xf32>
    %add3A_15 = arith.addf %get3A_11, %get3A_14 : vector<1024x128xf32>
    %get3A_16 = arith.constant 0 : index
    %get3A_17 = arith.constant 0 : index
    %get3A_18 = vector.load %arg3[%get3A_16, %get3A_17] : memref<1024x128xf32, #tpu.memory_space<vmem>>, vector<1024x128xf32>
    %add3A_19 = arith.addf %add3A_15, %get3A_18 : vector<1024x128xf32>
    %mul3A = vector.broadcast %rsqrt3A : vector<1024x1xf32> to vector<1024x128xf32>
    %mul3A_20 = arith.mulf %mul3A, %add3A_19 : vector<1024x128xf32>
    %get3A_21 = arith.constant 0 : index
    %get3A_22 = arith.constant 0 : index
    %get3A_23 = vector.load %arg6[%get3A_21, %get3A_22] : memref<1x128xf32, #tpu.memory_space<vmem>>, vector<1x128xf32>
    %add3A_24 = vector.broadcast %get3A_23 : vector<1x128xf32> to vector<1024x128xf32>
    %add3A_25 = arith.addf %mul3A_20, %add3A_24 : vector<1024x128xf32>
    %max3A = arith.constant 0.000000e+00 : f32
    %max3A_26 = vector.broadcast %max3A : f32 to vector<1024x128xf32>
    %max3A_27 = arith.maximumf %add3A_25, %max3A_26 : vector<1024x128xf32>
    %swap3A = arith.constant 0 : index
    %swap3A_28 = arith.constant 0 : index
    %swap3A_29 = vector.load %arg7[%swap3A, %swap3A_28] : memref<1024x128xf32, #tpu.memory_space<vmem>>, vector<1024x128xf32>
    tpu.vector_store %arg7[%swap3A, %swap3A_28], %max3A_27 {strides = array<i32>} : memref<1024x128xf32, #tpu.memory_space<vmem>>, vector<1024x128xf32>,
    return
  }
  func.func @transform_0(%arg0: i32) -> (i32, i32) {
    %c0_i32 = arith.constant 0 : i32
    %c0_i32_0 = arith.constant 0 : i32
    return %arg0, %c0_i32 : i32, i32
  }
  func.func @transform_1(%arg0: i32) -> (i32, i32) {
    %c0_i32 = arith.constant 0 : i32
    %c0_i32_0 = arith.constant 0 : i32
    return %arg0, %c0_i32 : i32, i32
  }
  func.func @transform_2(%arg0: i32) -> (i32, i32) {
    %c0_i32 = arith.constant 0 : i32
    %c0_i32_0 = arith.constant 0 : i32
    return %arg0, %c0_i32 : i32, i32
  }
  func.func @transform_3(%arg0: i32) -> (i32, i32) {
    %c0_i32 = arith.constant 0 : i32
    %c0_i32_0 = arith.constant 0 : i32
    return %arg0, %c0_i32 : i32, i32
  }
  func.func @transform_4(%arg0: i32) -> (i32, i32) {
    %c0_i32 = arith.constant 0 : i32
    %c0_i32_0 = arith.constant 0 : i32
    return %arg0, %c0_i32 : i32, i32
  }
  func.func @transform_5(%arg0: i32) -> (i32, i32) {
    %c0_i32 = arith.constant 0 : i32
    %c0_i32_0 = arith.constant 0 : i32
    %c0_i32_1 = arith.constant 0 : i32
    return %c0_i32, %c0_i32_0 : i32, i32
  }
  func.func @transform_6(%arg0: i32) -> (i32, i32) {
    %c0_i32 = arith.constant 0 : i32
    %c0_i32_0 = arith.constant 0 : i32
    return %arg0, %c0_i32 : i32, i32
  }
}

</mosaic_0001>

<sc_bundles>
// kernel: kernel.11.cloned.1.call-start
scs
__scs_entry_jumppad:
0x0: {  	(pc) =	sbr.rel $0x88, $3  }
0x1: {  	(tag) =	ssettag $0x0;
	lr =	simm.s32 $0x1  }
0x2: {  	[smem:$0x3F9B] =	sst lr;
	_ =	strace $0xD0000000  }
0x3: {  	_ = 	snop  }
0x4: {  	_ = 	snop  }
0x5: {  	_ = 	snop  }
0x6: {  	_ = 	snop  }
0x7: {  	_ = 	snop  }
__scs_overlays_trampoline_lowered:
0x8: {  	[smem:$0x3FAA] =	sst s0  }
0x9: {  	[smem:$0x3FAB] =	sst s1  }
0xa: {  	[smem:$0x3FAC] =	sst s2  }
0xb: {  	[smem:$0x3FAD] =	sst s3  }
0xc: {  	[smem:$0x3FAE] =	sst s4  }
0xd: {  	[smem:$0x3FAF] =	sst s5  }
0xe: {  	[smem:$0x3FB0] =	sst s6  }
0xf: {  	[smem:$0x3FB1] =	sst s7  }
0x10: {  	[smem:$0x3FB2] =	sst s8  }
0x11: {  	[smem:$0x3FB3] =	sst s9;
	s0 =	simm.s32 @!p0 $0x0  }
0x12: {  	s1 =	sld [smem:$0x3F99];
	s0 =	simm.s32 @p0 $0x1  }
0x13: {  	[smem:$0x3FB4] =	sst s0;
	s0 =	simm.s32 @!p1 $0x0  }
0x14: {  	s2 =	sld [smem:$0x3F98];
	s0 =	simm.s32 @p1 $0x1  }
0x15: {  	[smem:$0x3FB5] =	sst s0;
	s0 =	simm.s32 @!p2 $0x0  }
0x16: {  	s3 =	sld [smem:$0x3FDB];
	s0 =	simm.s32 @p2 $0x1  }
0x17: {  	s4 =	simm.s32 $0x1BF5;
	[smem:$0x3FB7] =	sst s0  }
0x18: {  	s0 =	sld [smem:$0x3F9A];
	_ =	swait.ge [sflag:s4], $0x0  }
0x19: {  	s7 =	sld [smem:$0x3F9B]  }
0x1a: {  	s8 =	sadd.s32 $0xFFFFE003, lr  }
0x1b: {  	s9 =	sadd.s32 $0xFFFFFEF7, lr;
	s5 =	simm.s32 $0xFFFFFFFF;
	p2 =	slt.u32 s8, $0xFFFFF086  }
0x1c: {  	p1 =	slt.u32 s9, $0xF7A;
	s5 =	simm.s32 @!p2 $0x0  }
0x1d: {  	s5 =	simm.s32 @p1 $0x1;
	p0 =	seq.s32 s7, s2  }
0x1e: {  	s7 =	smul.u32 @!p0 $0xF7A, s2;
	p2 =	seq.s32 @!p0 s5, $0x0  }
0x1f: {  	s9 =	smul.u32 $0xF7A, s1;
	s8 =	simm.s32 @!p0 $0x1BF5;
	p2 =	por !p2, p0  }
0x20: {  	[sflag:s8] =	ssyncset.s32 @!p0 $0xFFFFF086;
	s6 =	sadd.s32 @!p0 s3, s7;
	s7 =	simm.s32 @!p0 $0x108  }
0x21: {  	s3 =	sadd.s32 s3, s9;
	s6 =	sadd.s32 @!p0 $0x88, s6;
	s7 =	simm.s32 @p2 $0x1082  }
0x22: {  	[simem:s7], [sflag:s8] =	dma.local @!p0 [hbm:s6], $0xF7A  }
0x23: {  	s9 =	sor.u32 $0xD0000000, s2;
	s6 =	simm.s32 $0x108;
	_ =	swait.ge @!p0 [sflag:s8], $0x0  }
0x24: {  	s3 =	sadd.s32 $0x88, s3;
	s6 =	simm.s32 @!p1 $0x1082;
	[sflag:s4] =	ssyncset.s32 $0xFFFFF086  }
0x25: {  	[simem:s6], [sflag:s4] =	dma.local [hbm:s3], $0xF7A  }
0x26: {  	[smem:$0x3F9B] =	sst s1;
	(tag) =	ssettag s2;
	_ =	strace s9  }
0x27: {  	s1 =	sld [smem:$0x3FAB]  }
0x28: {  	s2 =	sld [smem:$0x3FAC]  }
0x29: {  	s4 =	sld [smem:$0x3FAE]  }
0x2a: {  	p0 =	seq.s32 s5, $0x0;
	s5 =	sld [smem:$0x3FAF]  }
0x2b: {  	s6 =	sld [smem:$0x3FB0]  }
0x2c: {  	s7 =	sld [smem:$0x3FB1]  }
0x2d: {  	s3 =	simm.s32 $0x108;
	s8 =	sld [smem:$0x3FB2]  }
0x2e: {  	s3 =	simm.s32 @!p0 $0x1082;
	s9 =	sld [smem:$0x3FB3]  }
0x2f: {  	lr =	sadd.s32 s0, s3;
	s0 =	sld [smem:$0x3FAA]  }
0x30: {  	s3 =	sld [smem:$0x3FAD]  }
0x31: {  	[smem:$0x3FB6] =	sst s10  }
0x32: {  	s10 =	sld [smem:$0x3FB4];
	_ =	sdelay $0x3  }
0x33: {  	p0 =	seq.s32 s10, $0x1;
	s10 =	sld [smem:$0x3FB6];
	_ =	sdelay $0x3  }
0x34: {  	[smem:$0x3FB6] =	sst s10  }
0x35: {  	s10 =	sld [smem:$0x3FB5];
	_ =	sdelay $0x3  }
0x36: {  	p1 =	seq.s32 s10, $0x1;
	s10 =	sld [smem:$0x3FB6];
	_ =	sdelay $0x3  }
0x37: {  	[smem:$0x3FB6] =	sst s10  }
0x38: {  	s10 =	sld [smem:$0x3FB7]  }
0x39: {  	_ = 	snop;
	(pc) =	sbr.ind lr, $3  }
0x3a: {  	_ = 	snop  }
0x3b: {  	_ = 	snop  }
0x3c: {  	p2 =	seq.s32 s10, $0x1;
	s10 =	sld [smem:$0x3FB6]  }
0x3d: {  	_ =	shalt  }
0x3e: {  	_ =	shalt  }
0x3f: {  	_ =	shalt  }
0x40: {  	_ =	shalt  }
0x41: {  	_ =	shalt  }
0x42: {  	_ =	shalt  }
0x43: {  	_ =	shalt  }
0x44: {  	_ =	shalt  }
0x45: {  	_ =	shalt  }
0x46: {  	_ =	shalt  }
0x47: {  	_ =	shalt  }
0x48: {  	_ =	shalt  }
0x49: {  	_ =	shalt  }
0x4a: {  	_ =	shalt  }
0x4b: {  	_ =	shalt  }
0x4c: {  	_ =	shalt  }
0x4d: {  	_ =	shalt  }
0x4e: {  	_ =	shalt  }
0x4f: {  	_ =	shalt  }
0x50: {  	_ =	shalt  }
0x51: {  	_ =	shalt  }
0x52: {  	_ =	shalt  }
0x53: {  	_ =	shalt  }
0x54: {  	_ =	shalt  }
0x55: {  	_ =	shalt  }
0x56: {  	_ =	shalt  }
0x57: {  	_ =	shalt  }
0x58: {  	_ =	shalt  }
0x59: {  	_ =	shalt  }
0x5a: {  	_ =	shalt  }
0x5b: {  	_ =	shalt  }
0x5c: {  	_ =	shalt  }
0x5d: {  	_ =	shalt  }
0x5e: {  	_ =	shalt  }
0x5f: {  	_ =	shalt  }
0x60: {  	_ =	shalt  }
0x61: {  	_ =	shalt  }
0x62: {  	_ =	shalt  }
0x63: {  	_ =	shalt  }
0x64: {  	_ =	shalt  }
0x65: {  	_ =	shalt  }
0x66: {  	_ =	shalt  }
0x67: {  	_ =	shalt  }
0x68: {  	_ =	shalt  }
0x69: {  	_ =	shalt  }
0x6a: {  	_ =	shalt  }
0x6b: {  	_ =	shalt  }
0x6c: {  	_ =	shalt  }
0x6d: {  	_ =	shalt  }
0x6e: {  	_ =	shalt  }
0x6f: {  	_ =	shalt  }
0x70: {  	_ =	shalt  }
0x71: {  	_ =	shalt  }
0x72: {  	_ =	shalt  }
0x73: {  	_ =	shalt  }
0x74: {  	_ =	shalt  }
0x75: {  	_ =	shalt  }
0x76: {  	_ =	shalt  }
0x77: {  	_ =	shalt  }
0x78: {  	_ =	shalt  }
0x79: {  	_ =	shalt  }
0x7a: {  	_ =	shalt  }
0x7b: {  	_ =	shalt  }
0x7c: {  	_ =	shalt  }
0x7d: {  	_ =	shalt  }
0x7e: {  	_ =	shalt  }
0x7f: {  	_ =	shalt  }
0x80: {  	_ =	shalt  }
0x81: {  	_ =	shalt  }
0x82: {  	_ =	shalt  }
0x83: {  	_ =	shalt  }
0x84: {  	_ =	shalt  }
0x85: {  	_ =	shalt  }
0x86: {  	_ =	shalt  }
0x87: {  	_ =	shalt  }
.Lfunc_end0:
.L_simem_size_0:
called_computation.1_lowered:
.L_overlay_start_0:
0x88: {  	s2 =	sld [smem:$0x3FD9]  }
0x89: {  	s3 =	sld [smem:$0x3FFE];
	_ =	sdelay $0x1  }
0x8a: {  	s1 =	srdreg.scid  }
0x8b: {  	s0 =	sand.u32 $0x1, s1  }
0x8c: {  	s17 =	sshll.u32 s0, $0xA;
	s2 =	sadd.s32 s3, s2  }
0x8d: {  	s2 =	sadd.s32 s2, s17  }
0x8e: {  	[smem:$0x3FC2] =	sst s2  }
0x8f: {  	_ = 	snop  }
0x90: {  	s2 =	sld [smem:$0x3FD0];
	(tm) =	ssettm $0x1  }
0x91: {  	s18 =	sld [smem:$0x3FFB];
	_ =	sdelay $0x3  }
0x92: {  	_ =	strace s18  }
0x93: {  	s3 =	sld [smem:$0x3FFC];
	_ =	sdelay $0x3  }
0x94: {  	_ =	strace s3  }
0x95: {  	s3 =	sld [smem:$0x3FFD];
	_ =	sdelay $0x3  }
0x96: {  	_ =	strace s3  }
0x97: {  	_ =	strace $0x8FFFFFFF  }
0x98: {  	s19 =	sld [smem:$0x3FDB];
	_ =	sdelay $0x1  }
0x99: {  	s4 =	simm.s32 $_scs_section_size  }
0x9a: {  	s5 =	simm.s32 $_size__tile_overlayer_lowered;
	s6 =	simm.s32 $_tile_overlayer_lowered  }
0x9b: {  	s22 =	simm.s32 $0x1BFF;
	s21 =	sshll.u32 s6, $0x1;
	s3 =	sadd.s32 s4, s19  }
0x9c: {  	s7 =	simm.s32 $0x0;
	s20 =	sshll.u32 s5, $0x1;
	s5 =	sadd.s32 s21, s3  }
0x9d: {  	[timem:s7], [sflag:s22] =	dma.local [hbm:s5], s20  }
0x9e: {  	_ =	swait.ge [sflag:s22], s20  }
0x9f: {  	s4 =	ssub.s32 $0x0, s20;
	[sflag:s22] =	ssyncset.done $0x0  }
0xa0: {  	[sflag:s22] =	ssyncadd.s32 s4;
	_ =	sdelay $0x1  }
0xa1: {  	s23 =	simm.s32 $0x1B8B  }
0xa2: {  	_ =	swait.ge [sflag:s23], $0x1  }
0xa3: {  	[sflag:s23] =	ssyncset.done $0x0  }
0xa4: {  	s25 =	simm.s32 $0x1B8E;
	s24 =	sld [smem:$0x3FFE];
	[sflag:s23] =	ssyncadd.s32 $0xFFFFFFFF  }
0xa5: {  	s26 =	simm.s32 $execute0_lowered;
	[smem:$0x3FD2] =	sst s25  }
0xa6: {  	s5 =	sshll.u32 s26, $0x1;
	_ =	strace $0x80000049;
	[dreg:$0x1] =	wrdreg $0xFFFFFFFF  }
0xa7: {  	s28 =	simm.s32 $_size_execute0_lowered;
	s3 =	sadd.s32 s3, s5;
	[dreg:$0x0] =	wrdreg $0x0  }
0xa8: {  	s5 =	sshll.u32 s28, $0x1;
	[dreg:$0x2] =	wrdreg s3  }
0xa9: {  	[dreg:$0x3] =	wrdreg s5  }
0xaa: {  	[dreg:$0x4] =	wrdreg $0xC0  }
0xab: {  	_ =	task [dreg:s7], $0x5FFFF  }
0xac: {  	[dreg:$0x1] =	wrdreg $0xFFFFFFFF  }
0xad: {  	[dreg:$0x0] =	wrdreg $0x60  }
0xae: {  	[dreg:$0x2] =	wrdreg s24  }
0xaf: {  	[dreg:$0x3] =	wrdreg s2  }
0xb0: {  	[dreg:$0x4] =	wrdreg $0x90000  }
0xb1: {  	[dreg:$0x5] =	wrdreg $0x9  }
0xb2: {  	_ =	task.clear_ibuf [dreg:s7], $0x6FFFF;
	_ =	strace $0x90000049  }
0xb3: {  	s29 =	simm.s32 $0x9;
	_ =	strace $0x8000004B  }
0xb4: {  	_ =	swait.ge [sflag:s29], $0x1  }
0xb5: {  	[sflag:s29] =	ssyncadd.s32 $0xFFFFFFFF  }
0xb6: {  	_ =	strace $0x9000004B  }
0xb7: {  	_ =	sfence  }
0xb8: {  	s30 =	sld [smem:$0x0];
	_ =	sdelay $0x2  }
0xb9: {  	s31 =	sshll.u32 s1, $0xD;
	s1 =	sshrl.u32 s1, $0x2  }
0xba: {  	s3 =	sand.u32 $0x4000, s31;
	s1 =	sadd.s32 s1, s30  }
0xbb: {  	s0 =	sor.u32 s3, s0;
	s1 =	sshll.u32 s1, $0x11  }
0xbc: {  	s0 =	sor.u32 s1, s0  }
0xbd: {  	s0 =	sadd.s32 $0x8F2B, s0  }
0xbe: {  	[sflag:s0] =	ssyncadd.remote.s32 $0x1  }
0xbf: {  	_ =	sfence.sel $0xFFFF  }
0xc0: {  	[dreg:$0x0] =	wrdreg $0xFFFFFFFF;
	(pc) =	sbr.abs _section_cstart, $3  }
0xc1: {  	[dreg:$0x1] =	wrdreg $0xFFFFFFFF  }
0xc2: {  	_ =	task.clear_ibuf [dreg:s7], $0x2FFFF;
	_ =	strace $0x9FFFFFFF  }
0xc3: {  	(tm) =	ssettm $0x7FFFFFFF  }
tec
execute0_lowered:
.L_overlay_start_1:
0x0: {  	(tag) =	ssettag $0x1  }
0x1: {  	s13 =	rddreg [dreg:$0x0]  }
0x2: {  	s11 =	rddreg [dreg:$0x1]  }
0x3: {  	s1 =	rddreg [dreg:$0x2]  }
0x4: {  	s2 =	srdreg.scid;
	s0 =	rddreg [dreg:$0x3];
	s3 =	simm.s32 $0x0  }
0x5: {  	s16 =	simm.s32 $0xAD400;
	s17 =	simm.s32 $0x80;
	s20 =	simm.s32 $0x0  }
0x6: {  	s10 =	sand.u32 $0x1, s2;
	s2 =	stileid.u32;
	[smem:$0x7FF] =	sst s3  }
0x7: {  	s4 =	sshll.u32 s10, $0x4;
	s5 =	smul.u32 $0x50000, s2;
	_ =	strace $0x8000004A  }
0x8: {  	s6 =	ssub.s32 $0x2, s10;
	p0 =	seq.s32 s10, $0x1;
	s31 =	smul.u32 $0x2800, s2  }
0x9: {  	s18 =	sshll.u32 s2, $0x6;
	s4 =	sor.u32 s2, s4;
	s7 =	sshrl.u32 s6, $0x1  }
0xa: {  	s16 =	simm.s32 @!p0 $0x85400;
	s12 =	smul.u32 $0x500, s4;
	s5 =	sshrl.u32 s5, $0x2  }
0xb: {  	s18 =	sor.u32 $0x1C01, s18;
	s4 =	sadd.s32 $0x5D400, s13;
	s5 =	sadd.s32 s5, s1  }
0xc: {  	s15 =	ssub.s32 s6, s7;
	s14 =	sadd.s32 s12, s13;
	s6 =	sadd.s32 $0x4000, s5  }
0xd: {  	s7 =	sadd.s32 $0x8000, s5;
	s8 =	sadd.s32 $0xC000, s5;
	s9 =	sadd.s32 $0x10000, s5  }
0xe: {  	s11 =	sadd.s32 s11, s12;
	s12 =	smax.u32 s15, $0x1;
	s13 =	sadd.s32 s16, s13  }
0xf: {  	s15 =	simm.s32 $0x1;
	s16 =	simm.s32 $0x2800;
	s19 =	sshrl.u32 s5, $0x3  }
0x10: {  	v0 =	vimm.f32 $0.0e+00;
	s10 =	sadd.s32 $0x53400, s14;
	s13 =	sadd.s32 s13, s31;
	s14 =	simm.s32 $0x5000  }
.LBB2_1:
0x11: {  	s21 =	sand.u32 $0xFE00, s3  }
0x12: {  	s22 =	sand.u32 $0x70, s3;
	s23 =	sshrl.u32 s21, $0x2  }
0x13: {  	s21 =	simm.s32 $0x40;
	s23 =	sor.u32 s22, s23;
	s22 =	simm.s32 $0x0  }
.LBB2_2:
0x14: {  	p0 =	sne.s32 s21, $0xFFC0  }
0x15: {  	[tilespmem:s23+$0x5000] =	vst v0;
	s22 =	sadd.s32 $0x10, s22;
	s23 =	smov.u32 s21;
	s21 =	sadd.s32 $0x40, s21  }
.Ltmp0:
0x16: {  	(pc) =	sbr.rel @p0 .LBB2_2-.Ltmp0, $4  }
0x17: {  	_ = 	snop  }
0x18: {  	s23 =	sand.u32 $0xFE00, s23  }
0x19: {  	s24 =	sand.u32 $0x70, s22;
	s23 =	sshrl.u32 s23, $0x2  }
0x1a: {  	s23 =	sor.u32 s24, s23  }
0x1b: {  	[tilespmem:s23+$0x5000] =	vst v0  }
0x1c: {  	[spmem:s5] =	stream.linear.scatter [tilespmem:s14], [sflag:$0x1], $0x4000, $0x38;
	[tilespmem:$0x1D000] =	vst v63  }
0x1d: {  	_ =	swait.ge [sflag:s15], $0x4000  }
0x1e: {  	[sflag:s15] =	ssyncset.done $0x0  }
0x1f: {  	[sflag:s15] =	ssyncadd.s32 $0xFFFFC000  }
0x20: {  	[spmem:s6] =	stream.linear.scatter [tilespmem:s14], [sflag:$0x1], $0x4000, $0x38;
	[tilespmem:$0x1D000] =	vst v63  }
0x21: {  	_ =	swait.ge [sflag:s15], $0x4000  }
0x22: {  	[sflag:s15] =	ssyncset.done $0x0  }
0x23: {  	[sflag:s15] =	ssyncadd.s32 $0xFFFFC000  }
0x24: {  	[spmem:s7] =	stream.linear.scatter [tilespmem:s14], [sflag:$0x1], $0x4000, $0x38;
	[tilespmem:$0x1D000] =	vst v63  }
0x25: {  	_ =	swait.ge [sflag:s15], $0x4000  }
0x26: {  	[sflag:s15] =	ssyncset.done $0x0  }
0x27: {  	[sflag:s15] =	ssyncadd.s32 $0xFFFFC000  }
0x28: {  	[spmem:s8] =	stream.linear.scatter [tilespmem:s14], [sflag:$0x1], $0x4000, $0x38;
	[tilespmem:$0x1D000] =	vst v63  }
0x29: {  	_ =	swait.ge [sflag:s15], $0x4000  }
0x2a: {  	[sflag:s15] =	ssyncset.done $0x0  }
0x2b: {  	[sflag:s15] =	ssyncadd.s32 $0xFFFFC000  }
0x2c: {  	[spmem:s9] =	stream.linear.scatter [tilespmem:s14], [sflag:$0x1], $0x4000, $0x38;
	[tilespmem:$0x1D000] =	vst v63  }
0x2d: {  	_ =	swait.ge [sflag:s15], $0x4000  }
0x2e: {  	[sflag:s15] =	ssyncset.done $0x0  }
0x2f: {  	[sflag:s15] =	ssyncadd.s32 $0xFFFFC000  }
0x30: {  	s21 =	simm.s32 $0x0;
	[bflag:$0x0] =	sbarrier.arrive $0xFFFF  }
0x31: {  	[tilespmem:s21], [sflag:$0x1] =	stream.linear.gather [hbm4b:s10+s21], $0x2800, $0x38;
	[tilespmem:$0x1D000] =	vst v63  }
0x32: {  	_ =	swait.ge [sflag:s15], $0x2800  }
0x33: {  	[sflag:s15] =	ssyncset.done $0x0  }
0x34: {  	[sflag:s15] =	ssyncadd.s32 $0xFFFFD800  }
0x35: {  	[tilespmem:s16], [sflag:$0x1] =	stream.linear.gather [hbm4b:s11+s21], $0x2800, $0x38;
	[tilespmem:$0x1D000] =	vst v63  }
0x36: {  	_ =	swait.ge [sflag:s15], $0x2800  }
0x37: {  	[sflag:s15] =	ssyncset.done $0x0  }
0x38: {  	s30 =	simm.s32 $0x0;
	[sflag:s15] =	ssyncadd.s32 $0xFFFFD800  }
0x39: {  	[tilespmem:s14], [sflag:$0x1] =	stream.indirect.gather [hbm4b:s4+s17], $0x80, s30, s17, $0xb8;
	[tilespmem:$0x1D000] =	vst v63  }
0x3a: {  	_ =	swait.ge [sflag:s15], $0x4000  }
0x3b: {  	[sflag:s15] =	ssyncset.done $0x0  }
0x3c: {  	s31 =	simm.s32 $0x2800;
	[sflag:s15] =	ssyncadd.s32 $0xFFFFC000  }
0x3d: {  	[spmem:s1] =	stream.indirect.scatter.add.f32 [tilespmem:s14], [sflag:$0x1], $0x80, s31, s17, $0xb8;
	[tilespmem:$0x1D000] =	vst v63  }
0x3e: {  	_ =	swait.ge [sflag:s15], $0x4000  }
0x3f: {  	s22 =	simm.s32 $0x400;
	s21 =	simm.s32 $0x200;
	[sflag:s15] =	ssyncset.done $0x0  }
.LBB2_4:
0x40: {  	s23 =	sshra.s32 s21, $0x2  }
0x41: {  	[sflag:s15] =	ssyncadd.s32 $0xFFFFC000;
	s21 =	smov.u32 s22;
	s24 =	sadd.s32 $0x200, s22  }
0x42: {  	[tilespmem:s14], [sflag:$0x1] =	stream.indirect.gather [hbm4b:s4+s17], $0x80, s23, s17, $0xb8;
	[tilespmem:$0x1D000] =	vst v63  }
0x43: {  	p0 =	sne.s32 s22, $0x9E00;
	_ =	swait.ge [sflag:s15], $0x4000  }
.Ltmp1:
0x44: {  	[sflag:s15] =	ssyncset.done $0x0;
	(pc) =	sbr.rel @p0 .LBB2_4-.Ltmp1, $4  }
0x45: {  	s22 =	sadd.s32 $0x2800, s23;
	[sflag:s15] =	ssyncadd.s32 $0xFFFFC000  }
0x46: {  	[spmem:s1] =	stream.indirect.scatter.add.f32 [tilespmem:s14], [sflag:$0x1], $0x80, s22, s17, $0xb8;
	[tilespmem:$0x1D000] =	vst v63  }
0x47: {  	_ =	swait.ge [sflag:s15], $0x4000  }
0x48: {  	s22 =	smov.u32 s24;
	[sflag:s15] =	ssyncset.done $0x0  }
0x49: {  	s21 =	sshra.s32 s21, $0x2;
	[sflag:s15] =	ssyncadd.s32 $0xFFFFC000  }
0x4a: {  	[tilespmem:s14], [sflag:$0x1] =	stream.indirect.gather [hbm4b:s4+s17], $0x80, s21, s17, $0xb8;
	[tilespmem:$0x1D000] =	vst v63  }
0x4b: {  	_ =	swait.ge [sflag:s15], $0x4000  }
0x4c: {  	[sflag:s15] =	ssyncset.done $0x0  }
0x4d: {  	s21 =	sadd.s32 $0x2800, s21;
	[sflag:s15] =	ssyncadd.s32 $0xFFFFC000  }
0x4e: {  	[spmem:s1] =	stream.indirect.scatter.add.f32 [tilespmem:s14], [sflag:$0x1], $0x80, s21, s17, $0xb8;
	[tilespmem:$0x1D000] =	vst v63  }
0x4f: {  	_ =	swait.ge [sflag:s15], $0x4000  }
0x50: {  	s20 =	sadd.s32 $0x1, s20;
	[sflag:s15] =	ssyncset.done $0x0  }
0x51: {  	p0 =	sne.s32 s20, s12;
	[sflag:s15] =	ssyncadd.s32 $0xFFFFC000  }
.Ltmp2:
0x52: {  	[bflag:$0x0] =	sbarrier.arrive $0xFFFF;
	(pc) =	sbr.rel @p0 .LBB2_1-.Ltmp2, $4  }
0x53: {  	[hbm:s13], [sflag:s18] =	dma.local [spmem:s19], $0x2800  }
0x54: {  	_ =	swait.ge [sflag:s15], $0x2800  }
0x55: {  	[sflag:s15] =	ssyncset.done $0x0  }
0x56: {  	[sflag:s15] =	ssyncadd.s32 $0xFFFFD800  }
0x57: {  	_ =	sfence.sel $0x180000  }
0x58: {  	[bflag:$0x0] =	sbarrier.arrive $0xFFFF  }
0x59: {  	p0 =	sne.s32 s2, $0x0;
	_ =	strace $0x9000004A  }
0x5a: {  	s0 =	sadd.s32 @!p0 $0x100000, s0;
	[bflag:$0x2] =	sbarrier.arrive $0xFFFF  }
0x5b: {  	[sflag:s0] =	ssyncadd.tile.s32 @!p0 $0x1;
	_ =	shalt  }
.Lfunc_end2:
_tile_overlayer_lowered:
.L_overlay_start_2:
0x5c: {  	(tag) =	ssettag $0x2  }
0x5d: {  	s0 =	rddreg [dreg:$0x0];
	s2 =	stileid.u32  }
0x5e: {  	s1 =	rddreg [dreg:$0x1];
	p0 =	sne.s32 s2, $0x0  }
0x5f: {  	s3 =	rddreg [dreg:$0x2];
	[bflag:$0x3] =	sbarrier.arrive $0xFFFF;
	s2 =	simm.s32 @!p0 $0x1C01  }
0x60: {  	[timem:s3], [sflag:s2] =	dma.local @!p0 [hbm:s0], s1  }
0x61: {  	s0 =	simm.s32 @!p0 $0x1  }
0x62: {  	_ =	swait.ge @!p0 [sflag:s0], s1  }
0x63: {  	s1 =	ssub.s32 @!p0 $0x0, s1;
	[sflag:s0] =	ssyncset.done @!p0 $0x0  }
0x64: {  	[sflag:s0] =	ssyncadd.s32 @!p0 s1  }
0x65: {  	[bflag:$0x3] =	sbarrier.arrive $0xFFFF  }
0x66: {  	_ =	shalt  }

// kernel: kernel.14.cloned.1.call-start
scs
__scs_entry_jumppad:
0x0: {  	(pc) =	sbr.rel $0x88, $3  }
0x1: {  	(tag) =	ssettag $0x0;
	lr =	simm.s32 $0x1  }
0x2: {  	[smem:$0x3F9B] =	sst lr;
	_ =	strace $0xD0000000  }
0x3: {  	_ = 	snop  }
0x4: {  	_ = 	snop  }
0x5: {  	_ = 	snop  }
0x6: {  	_ = 	snop  }
0x7: {  	_ = 	snop  }
__scs_overlays_trampoline_lowered:
0x8: {  	[smem:$0x3FAA] =	sst s0  }
0x9: {  	[smem:$0x3FAB] =	sst s1  }
0xa: {  	[smem:$0x3FAC] =	sst s2  }
0xb: {  	[smem:$0x3FAD] =	sst s3  }
0xc: {  	[smem:$0x3FAE] =	sst s4  }
0xd: {  	[smem:$0x3FAF] =	sst s5  }
0xe: {  	[smem:$0x3FB0] =	sst s6  }
0xf: {  	[smem:$0x3FB1] =	sst s7  }
0x10: {  	[smem:$0x3FB2] =	sst s8  }
0x11: {  	[smem:$0x3FB3] =	sst s9;
	s0 =	simm.s32 @!p0 $0x0  }
0x12: {  	s1 =	sld [smem:$0x3F99];
	s0 =	simm.s32 @p0 $0x1  }
0x13: {  	[smem:$0x3FB4] =	sst s0;
	s0 =	simm.s32 @!p1 $0x0  }
0x14: {  	s2 =	sld [smem:$0x3F98];
	s0 =	simm.s32 @p1 $0x1  }
0x15: {  	[smem:$0x3FB5] =	sst s0;
	s0 =	simm.s32 @!p2 $0x0  }
0x16: {  	s3 =	sld [smem:$0x3FDB];
	s0 =	simm.s32 @p2 $0x1  }
0x17: {  	s4 =	simm.s32 $0x1BF5;
	[smem:$0x3FB7] =	sst s0  }
0x18: {  	s0 =	sld [smem:$0x3F9A];
	_ =	swait.ge [sflag:s4], $0x0  }
0x19: {  	s7 =	sld [smem:$0x3F9B]  }
0x1a: {  	s8 =	sadd.s32 $0xFFFFE003, lr  }
0x1b: {  	s9 =	sadd.s32 $0xFFFFFEF7, lr;
	s5 =	simm.s32 $0xFFFFFFFF;
	p2 =	slt.u32 s8, $0xFFFFF086  }
0x1c: {  	p1 =	slt.u32 s9, $0xF7A;
	s5 =	simm.s32 @!p2 $0x0  }
0x1d: {  	s5 =	simm.s32 @p1 $0x1;
	p0 =	seq.s32 s7, s2  }
0x1e: {  	s7 =	smul.u32 @!p0 $0xF7A, s2;
	p2 =	seq.s32 @!p0 s5, $0x0  }
0x1f: {  	s9 =	smul.u32 $0xF7A, s1;
	s8 =	simm.s32 @!p0 $0x1BF5;
	p2 =	por !p2, p0  }
0x20: {  	[sflag:s8] =	ssyncset.s32 @!p0 $0xFFFFF086;
	s6 =	sadd.s32 @!p0 s3, s7;
	s7 =	simm.s32 @!p0 $0x108  }
0x21: {  	s3 =	sadd.s32 s3, s9;
	s6 =	sadd.s32 @!p0 $0x88, s6;
	s7 =	simm.s32 @p2 $0x1082  }
0x22: {  	[simem:s7], [sflag:s8] =	dma.local @!p0 [hbm:s6], $0xF7A  }
0x23: {  	s9 =	sor.u32 $0xD0000000, s2;
	s6 =	simm.s32 $0x108;
	_ =	swait.ge @!p0 [sflag:s8], $0x0  }
0x24: {  	s3 =	sadd.s32 $0x88, s3;
	s6 =	simm.s32 @!p1 $0x1082;
	[sflag:s4] =	ssyncset.s32 $0xFFFFF086  }
0x25: {  	[simem:s6], [sflag:s4] =	dma.local [hbm:s3], $0xF7A  }
0x26: {  	[smem:$0x3F9B] =	sst s1;
	(tag) =	ssettag s2;
	_ =	strace s9  }
0x27: {  	s1 =	sld [smem:$0x3FAB]  }
0x28: {  	s2 =	sld [smem:$0x3FAC]  }
0x29: {  	s4 =	sld [smem:$0x3FAE]  }
0x2a: {  	p0 =	seq.s32 s5, $0x0;
	s5 =	sld [smem:$0x3FAF]  }
0x2b: {  	s6 =	sld [smem:$0x3FB0]  }
0x2c: {  	s7 =	sld [smem:$0x3FB1]  }
0x2d: {  	s3 =	simm.s32 $0x108;
	s8 =	sld [smem:$0x3FB2]  }
0x2e: {  	s3 =	simm.s32 @!p0 $0x1082;
	s9 =	sld [smem:$0x3FB3]  }
0x2f: {  	lr =	sadd.s32 s0, s3;
	s0 =	sld [smem:$0x3FAA]  }
0x30: {  	s3 =	sld [smem:$0x3FAD]  }
0x31: {  	[smem:$0x3FB6] =	sst s10  }
0x32: {  	s10 =	sld [smem:$0x3FB4];
	_ =	sdelay $0x3  }
0x33: {  	p0 =	seq.s32 s10, $0x1;
	s10 =	sld [smem:$0x3FB6];
	_ =	sdelay $0x3  }
0x34: {  	[smem:$0x3FB6] =	sst s10  }
0x35: {  	s10 =	sld [smem:$0x3FB5];
	_ =	sdelay $0x3  }
0x36: {  	p1 =	seq.s32 s10, $0x1;
	s10 =	sld [smem:$0x3FB6];
	_ =	sdelay $0x3  }
0x37: {  	[smem:$0x3FB6] =	sst s10  }
0x38: {  	s10 =	sld [smem:$0x3FB7]  }
0x39: {  	_ = 	snop;
	(pc) =	sbr.ind lr, $3  }
0x3a: {  	_ = 	snop  }
0x3b: {  	_ = 	snop  }
0x3c: {  	p2 =	seq.s32 s10, $0x1;
	s10 =	sld [smem:$0x3FB6]  }
0x3d: {  	_ =	shalt  }
0x3e: {  	_ =	shalt  }
0x3f: {  	_ =	shalt  }
0x40: {  	_ =	shalt  }
0x41: {  	_ =	shalt  }
0x42: {  	_ =	shalt  }
0x43: {  	_ =	shalt  }
0x44: {  	_ =	shalt  }
0x45: {  	_ =	shalt  }
0x46: {  	_ =	shalt  }
0x47: {  	_ =	shalt  }
0x48: {  	_ =	shalt  }
0x49: {  	_ =	shalt  }
0x4a: {  	_ =	shalt  }
0x4b: {  	_ =	shalt  }
0x4c: {  	_ =	shalt  }
0x4d: {  	_ =	shalt  }
0x4e: {  	_ =	shalt  }
0x4f: {  	_ =	shalt  }
0x50: {  	_ =	shalt  }
0x51: {  	_ =	shalt  }
0x52: {  	_ =	shalt  }
0x53: {  	_ =	shalt  }
0x54: {  	_ =	shalt  }
0x55: {  	_ =	shalt  }
0x56: {  	_ =	shalt  }
0x57: {  	_ =	shalt  }
0x58: {  	_ =	shalt  }
0x59: {  	_ =	shalt  }
0x5a: {  	_ =	shalt  }
0x5b: {  	_ =	shalt  }
0x5c: {  	_ =	shalt  }
0x5d: {  	_ =	shalt  }
0x5e: {  	_ =	shalt  }
0x5f: {  	_ =	shalt  }
0x60: {  	_ =	shalt  }
0x61: {  	_ =	shalt  }
0x62: {  	_ =	shalt  }
0x63: {  	_ =	shalt  }
0x64: {  	_ =	shalt  }
0x65: {  	_ =	shalt  }
0x66: {  	_ =	shalt  }
0x67: {  	_ =	shalt  }
0x68: {  	_ =	shalt  }
0x69: {  	_ =	shalt  }
0x6a: {  	_ =	shalt  }
0x6b: {  	_ =	shalt  }
0x6c: {  	_ =	shalt  }
0x6d: {  	_ =	shalt  }
0x6e: {  	_ =	shalt  }
0x6f: {  	_ =	shalt  }
0x70: {  	_ =	shalt  }
0x71: {  	_ =	shalt  }
0x72: {  	_ =	shalt  }
0x73: {  	_ =	shalt  }
0x74: {  	_ =	shalt  }
0x75: {  	_ =	shalt  }
0x76: {  	_ =	shalt  }
0x77: {  	_ =	shalt  }
0x78: {  	_ =	shalt  }
0x79: {  	_ =	shalt  }
0x7a: {  	_ =	shalt  }
0x7b: {  	_ =	shalt  }
0x7c: {  	_ =	shalt  }
0x7d: {  	_ =	shalt  }
0x7e: {  	_ =	shalt  }
0x7f: {  	_ =	shalt  }
0x80: {  	_ =	shalt  }
0x81: {  	_ =	shalt  }
0x82: {  	_ =	shalt  }
0x83: {  	_ =	shalt  }
0x84: {  	_ =	shalt  }
0x85: {  	_ =	shalt  }
0x86: {  	_ =	shalt  }
0x87: {  	_ =	shalt  }
.Lfunc_end0:
.L_simem_size_0:
called_computation.2_lowered:
.L_overlay_start_0:
0x88: {  	s2 =	sld [smem:$0x3FD9]  }
0x89: {  	s3 =	sld [smem:$0x3FFE];
	_ =	sdelay $0x1  }
0x8a: {  	s1 =	srdreg.scid  }
0x8b: {  	s0 =	sand.u32 $0x1, s1  }
0x8c: {  	s17 =	sshll.u32 s0, $0xA;
	s2 =	sadd.s32 s3, s2  }
0x8d: {  	s2 =	sadd.s32 s2, s17  }
0x8e: {  	[smem:$0x3FC2] =	sst s2  }
0x8f: {  	_ = 	snop  }
0x90: {  	s2 =	sld [smem:$0x3FD0];
	(tm) =	ssettm $0x1  }
0x91: {  	s18 =	sld [smem:$0x3FFB];
	_ =	sdelay $0x3  }
0x92: {  	_ =	strace s18  }
0x93: {  	s3 =	sld [smem:$0x3FFC];
	_ =	sdelay $0x3  }
0x94: {  	_ =	strace s3  }
0x95: {  	s3 =	sld [smem:$0x3FFD];
	_ =	sdelay $0x3  }
0x96: {  	_ =	strace s3  }
0x97: {  	_ =	strace $0x8FFFFFFF  }
0x98: {  	s19 =	sld [smem:$0x3FDB];
	_ =	sdelay $0x1  }
0x99: {  	s4 =	simm.s32 $_scs_section_size  }
0x9a: {  	s5 =	simm.s32 $_size__tile_overlayer_lowered;
	s6 =	simm.s32 $_tile_overlayer_lowered  }
0x9b: {  	s22 =	simm.s32 $0x1BFF;
	s21 =	sshll.u32 s6, $0x1;
	s3 =	sadd.s32 s4, s19  }
0x9c: {  	s7 =	simm.s32 $0x0;
	s20 =	sshll.u32 s5, $0x1;
	s5 =	sadd.s32 s21, s3  }
0x9d: {  	[timem:s7], [sflag:s22] =	dma.local [hbm:s5], s20  }
0x9e: {  	_ =	swait.ge [sflag:s22], s20  }
0x9f: {  	s4 =	ssub.s32 $0x0, s20;
	[sflag:s22] =	ssyncset.done $0x0  }
0xa0: {  	[sflag:s22] =	ssyncadd.s32 s4;
	_ =	sdelay $0x1  }
0xa1: {  	s23 =	simm.s32 $0x1B8B  }
0xa2: {  	_ =	swait.ge [sflag:s23], $0x1  }
0xa3: {  	[sflag:s23] =	ssyncset.done $0x0  }
0xa4: {  	s25 =	simm.s32 $0x1B8E;
	s24 =	sld [smem:$0x3FFE];
	[sflag:s23] =	ssyncadd.s32 $0xFFFFFFFF  }
0xa5: {  	s26 =	simm.s32 $execute0_lowered;
	[smem:$0x3FD2] =	sst s25  }
0xa6: {  	s5 =	sshll.u32 s26, $0x1;
	_ =	strace $0x8000004C;
	[dreg:$0x1] =	wrdreg $0xFFFFFFFF  }
0xa7: {  	s28 =	simm.s32 $_size_execute0_lowered;
	s3 =	sadd.s32 s3, s5;
	[dreg:$0x0] =	wrdreg $0x0  }
0xa8: {  	s5 =	sshll.u32 s28, $0x1;
	[dreg:$0x2] =	wrdreg s3  }
0xa9: {  	[dreg:$0x3] =	wrdreg s5  }
0xaa: {  	[dreg:$0x4] =	wrdreg $0xC0  }
0xab: {  	_ =	task [dreg:s7], $0x5FFFF  }
0xac: {  	[dreg:$0x1] =	wrdreg $0xFFFFFFFF  }
0xad: {  	[dreg:$0x0] =	wrdreg $0x60  }
0xae: {  	[dreg:$0x2] =	wrdreg s24  }
0xaf: {  	[dreg:$0x3] =	wrdreg s2  }
0xb0: {  	[dreg:$0x4] =	wrdreg $0x90000  }
0xb1: {  	[dreg:$0x5] =	wrdreg $0x9  }
0xb2: {  	_ =	task.clear_ibuf [dreg:s7], $0x6FFFF;
	_ =	strace $0x9000004C  }
0xb3: {  	s29 =	simm.s32 $0x9;
	_ =	strace $0x8000004E  }
0xb4: {  	_ =	swait.ge [sflag:s29], $0x1  }
0xb5: {  	[sflag:s29] =	ssyncadd.s32 $0xFFFFFFFF  }
0xb6: {  	_ =	strace $0x9000004E  }
0xb7: {  	_ =	sfence  }
0xb8: {  	s30 =	sld [smem:$0x0];
	_ =	sdelay $0x2  }
0xb9: {  	s31 =	sshll.u32 s1, $0xD;
	s1 =	sshrl.u32 s1, $0x2  }
0xba: {  	s3 =	sand.u32 $0x4000, s31;
	s1 =	sadd.s32 s1, s30  }
0xbb: {  	s0 =	sor.u32 s3, s0;
	s1 =	sshll.u32 s1, $0x11  }
0xbc: {  	s0 =	sor.u32 s1, s0  }
0xbd: {  	s0 =	sadd.s32 $0x8F2B, s0  }
0xbe: {  	[sflag:s0] =	ssyncadd.remote.s32 $0x1  }
0xbf: {  	_ =	sfence.sel $0xFFFF  }
0xc0: {  	[dreg:$0x0] =	wrdreg $0xFFFFFFFF;
	(pc) =	sbr.abs _section_cstart, $3  }
0xc1: {  	[dreg:$0x1] =	wrdreg $0xFFFFFFFF  }
0xc2: {  	_ =	task.clear_ibuf [dreg:s7], $0x2FFFF;
	_ =	strace $0x9FFFFFFF  }
0xc3: {  	(tm) =	ssettm $0x7FFFFFFF  }
tec
execute0_lowered:
.L_overlay_start_1:
0x0: {  	(tag) =	ssettag $0x1  }
0x1: {  	s13 =	rddreg [dreg:$0x0]  }
0x2: {  	s11 =	rddreg [dreg:$0x1]  }
0x3: {  	s1 =	rddreg [dreg:$0x2]  }
0x4: {  	s2 =	srdreg.scid;
	s0 =	rddreg [dreg:$0x3];
	s3 =	simm.s32 $0x0  }
0x5: {  	s16 =	simm.s32 $0xAD400;
	s17 =	simm.s32 $0x80;
	s20 =	simm.s32 $0x0  }
0x6: {  	s10 =	sand.u32 $0x1, s2;
	s2 =	stileid.u32;
	[smem:$0x7FF] =	sst s3  }
0x7: {  	s4 =	sshll.u32 s10, $0x4;
	s5 =	smul.u32 $0x50000, s2;
	_ =	strace $0x8000004D  }
0x8: {  	s6 =	ssub.s32 $0x2, s10;
	p0 =	seq.s32 s10, $0x1;
	s31 =	smul.u32 $0x2800, s2  }
0x9: {  	s18 =	sshll.u32 s2, $0x6;
	s4 =	sor.u32 s2, s4;
	s7 =	sshrl.u32 s6, $0x1  }
0xa: {  	s16 =	simm.s32 @!p0 $0x85400;
	s12 =	smul.u32 $0x500, s4;
	s5 =	sshrl.u32 s5, $0x2  }
0xb: {  	s18 =	sor.u32 $0x1C01, s18;
	s4 =	sadd.s32 $0x5D400, s13;
	s5 =	sadd.s32 s5, s1  }
0xc: {  	s15 =	ssub.s32 s6, s7;
	s14 =	sadd.s32 s12, s13;
	s6 =	sadd.s32 $0x4000, s5  }
0xd: {  	s7 =	sadd.s32 $0x8000, s5;
	s8 =	sadd.s32 $0xC000, s5;
	s9 =	sadd.s32 $0x10000, s5  }
0xe: {  	s11 =	sadd.s32 s11, s12;
	s12 =	smax.u32 s15, $0x1;
	s13 =	sadd.s32 s16, s13  }
0xf: {  	s15 =	simm.s32 $0x1;
	s16 =	simm.s32 $0x2800;
	s19 =	sshrl.u32 s5, $0x3  }
0x10: {  	v0 =	vimm.f32 $0.0e+00;
	s10 =	sadd.s32 $0x53400, s14;
	s13 =	sadd.s32 s13, s31;
	s14 =	simm.s32 $0x5000  }
.LBB2_1:
0x11: {  	s21 =	sand.u32 $0xFE00, s3  }
0x12: {  	s22 =	sand.u32 $0x70, s3;
	s23 =	sshrl.u32 s21, $0x2  }
0x13: {  	s21 =	simm.s32 $0x40;
	s23 =	sor.u32 s22, s23;
	s22 =	simm.s32 $0x0  }
.LBB2_2:
0x14: {  	p0 =	sne.s32 s21, $0xFFC0  }
0x15: {  	[tilespmem:s23+$0x5000] =	vst v0;
	s22 =	sadd.s32 $0x10, s22;
	s23 =	smov.u32 s21;
	s21 =	sadd.s32 $0x40, s21  }
.Ltmp0:
0x16: {  	(pc) =	sbr.rel @p0 .LBB2_2-.Ltmp0, $4  }
0x17: {  	_ = 	snop  }
0x18: {  	s23 =	sand.u32 $0xFE00, s23  }
0x19: {  	s24 =	sand.u32 $0x70, s22;
	s23 =	sshrl.u32 s23, $0x2  }
0x1a: {  	s23 =	sor.u32 s24, s23  }
0x1b: {  	[tilespmem:s23+$0x5000] =	vst v0  }
0x1c: {  	[spmem:s5] =	stream.linear.scatter [tilespmem:s14], [sflag:$0x1], $0x4000, $0x38;
	[tilespmem:$0x1D000] =	vst v63  }
0x1d: {  	_ =	swait.ge [sflag:s15], $0x4000  }
0x1e: {  	[sflag:s15] =	ssyncset.done $0x0  }
0x1f: {  	[sflag:s15] =	ssyncadd.s32 $0xFFFFC000  }
0x20: {  	[spmem:s6] =	stream.linear.scatter [tilespmem:s14], [sflag:$0x1], $0x4000, $0x38;
	[tilespmem:$0x1D000] =	vst v63  }
0x21: {  	_ =	swait.ge [sflag:s15], $0x4000  }
0x22: {  	[sflag:s15] =	ssyncset.done $0x0  }
0x23: {  	[sflag:s15] =	ssyncadd.s32 $0xFFFFC000  }
0x24: {  	[spmem:s7] =	stream.linear.scatter [tilespmem:s14], [sflag:$0x1], $0x4000, $0x38;
	[tilespmem:$0x1D000] =	vst v63  }
0x25: {  	_ =	swait.ge [sflag:s15], $0x4000  }
0x26: {  	[sflag:s15] =	ssyncset.done $0x0  }
0x27: {  	[sflag:s15] =	ssyncadd.s32 $0xFFFFC000  }
0x28: {  	[spmem:s8] =	stream.linear.scatter [tilespmem:s14], [sflag:$0x1], $0x4000, $0x38;
	[tilespmem:$0x1D000] =	vst v63  }
0x29: {  	_ =	swait.ge [sflag:s15], $0x4000  }
0x2a: {  	[sflag:s15] =	ssyncset.done $0x0  }
0x2b: {  	[sflag:s15] =	ssyncadd.s32 $0xFFFFC000  }
0x2c: {  	[spmem:s9] =	stream.linear.scatter [tilespmem:s14], [sflag:$0x1], $0x4000, $0x38;
	[tilespmem:$0x1D000] =	vst v63  }
0x2d: {  	_ =	swait.ge [sflag:s15], $0x4000  }
0x2e: {  	[sflag:s15] =	ssyncset.done $0x0  }
0x2f: {  	[sflag:s15] =	ssyncadd.s32 $0xFFFFC000  }
0x30: {  	s21 =	simm.s32 $0x0;
	[bflag:$0x0] =	sbarrier.arrive $0xFFFF  }
0x31: {  	[tilespmem:s21], [sflag:$0x1] =	stream.linear.gather [hbm4b:s10+s21], $0x2800, $0x38;
	[tilespmem:$0x1D000] =	vst v63  }
0x32: {  	_ =	swait.ge [sflag:s15], $0x2800  }
0x33: {  	[sflag:s15] =	ssyncset.done $0x0  }
0x34: {  	[sflag:s15] =	ssyncadd.s32 $0xFFFFD800  }
0x35: {  	[tilespmem:s16], [sflag:$0x1] =	stream.linear.gather [hbm4b:s11+s21], $0x2800, $0x38;
	[tilespmem:$0x1D000] =	vst v63  }
0x36: {  	_ =	swait.ge [sflag:s15], $0x2800  }
0x37: {  	[sflag:s15] =	ssyncset.done $0x0  }
0x38: {  	s30 =	simm.s32 $0x0;
	[sflag:s15] =	ssyncadd.s32 $0xFFFFD800  }
0x39: {  	[tilespmem:s14], [sflag:$0x1] =	stream.indirect.gather [hbm4b:s4+s17], $0x80, s30, s17, $0xb8;
	[tilespmem:$0x1D000] =	vst v63  }
0x3a: {  	_ =	swait.ge [sflag:s15], $0x4000  }
0x3b: {  	[sflag:s15] =	ssyncset.done $0x0  }
0x3c: {  	s31 =	simm.s32 $0x2800;
	[sflag:s15] =	ssyncadd.s32 $0xFFFFC000  }
0x3d: {  	[spmem:s1] =	stream.indirect.scatter.add.f32 [tilespmem:s14], [sflag:$0x1], $0x80, s31, s17, $0xb8;
	[tilespmem:$0x1D000] =	vst v63  }
0x3e: {  	_ =	swait.ge [sflag:s15], $0x4000  }
0x3f: {  	s22 =	simm.s32 $0x400;
	s21 =	simm.s32 $0x200;
	[sflag:s15] =	ssyncset.done $0x0  }
.LBB2_4:
0x40: {  	s23 =	sshra.s32 s21, $0x2  }
0x41: {  	[sflag:s15] =	ssyncadd.s32 $0xFFFFC000;
	s21 =	smov.u32 s22;
	s24 =	sadd.s32 $0x200, s22  }
0x42: {  	[tilespmem:s14], [sflag:$0x1] =	stream.indirect.gather [hbm4b:s4+s17], $0x80, s23, s17, $0xb8;
	[tilespmem:$0x1D000] =	vst v63  }
0x43: {  	p0 =	sne.s32 s22, $0x9E00;
	_ =	swait.ge [sflag:s15], $0x4000  }
.Ltmp1:
0x44: {  	[sflag:s15] =	ssyncset.done $0x0;
	(pc) =	sbr.rel @p0 .LBB2_4-.Ltmp1, $4  }
0x45: {  	s22 =	sadd.s32 $0x2800, s23;
	[sflag:s15] =	ssyncadd.s32 $0xFFFFC000  }
0x46: {  	[spmem:s1] =	stream.indirect.scatter.add.f32 [tilespmem:s14], [sflag:$0x1], $0x80, s22, s17, $0xb8;
	[tilespmem:$0x1D000] =	vst v63  }
0x47: {  	_ =	swait.ge [sflag:s15], $0x4000  }
0x48: {  	s22 =	smov.u32 s24;
	[sflag:s15] =	ssyncset.done $0x0  }
0x49: {  	s21 =	sshra.s32 s21, $0x2;
	[sflag:s15] =	ssyncadd.s32 $0xFFFFC000  }
0x4a: {  	[tilespmem:s14], [sflag:$0x1] =	stream.indirect.gather [hbm4b:s4+s17], $0x80, s21, s17, $0xb8;
	[tilespmem:$0x1D000] =	vst v63  }
0x4b: {  	_ =	swait.ge [sflag:s15], $0x4000  }
0x4c: {  	[sflag:s15] =	ssyncset.done $0x0  }
0x4d: {  	s21 =	sadd.s32 $0x2800, s21;
	[sflag:s15] =	ssyncadd.s32 $0xFFFFC000  }
0x4e: {  	[spmem:s1] =	stream.indirect.scatter.add.f32 [tilespmem:s14], [sflag:$0x1], $0x80, s21, s17, $0xb8;
	[tilespmem:$0x1D000] =	vst v63  }
0x4f: {  	_ =	swait.ge [sflag:s15], $0x4000  }
0x50: {  	s20 =	sadd.s32 $0x1, s20;
	[sflag:s15] =	ssyncset.done $0x0  }
0x51: {  	p0 =	sne.s32 s20, s12;
	[sflag:s15] =	ssyncadd.s32 $0xFFFFC000  }
.Ltmp2:
0x52: {  	[bflag:$0x0] =	sbarrier.arrive $0xFFFF;
	(pc) =	sbr.rel @p0 .LBB2_1-.Ltmp2, $4  }
0x53: {  	[hbm:s13], [sflag:s18] =	dma.local [spmem:s19], $0x2800  }
0x54: {  	_ =	swait.ge [sflag:s15], $0x2800  }
0x55: {  	[sflag:s15] =	ssyncset.done $0x0  }
0x56: {  	[sflag:s15] =	ssyncadd.s32 $0xFFFFD800  }
0x57: {  	_ =	sfence.sel $0x180000  }
0x58: {  	[bflag:$0x0] =	sbarrier.arrive $0xFFFF  }
0x59: {  	p0 =	sne.s32 s2, $0x0;
	_ =	strace $0x9000004D  }
0x5a: {  	s0 =	sadd.s32 @!p0 $0x100000, s0;
	[bflag:$0x2] =	sbarrier.arrive $0xFFFF  }
0x5b: {  	[sflag:s0] =	ssyncadd.tile.s32 @!p0 $0x1;
	_ =	shalt  }
.Lfunc_end2:
_tile_overlayer_lowered:
.L_overlay_start_2:
0x5c: {  	(tag) =	ssettag $0x2  }
0x5d: {  	s0 =	rddreg [dreg:$0x0];
	s2 =	stileid.u32  }
0x5e: {  	s1 =	rddreg [dreg:$0x1];
	p0 =	sne.s32 s2, $0x0  }
0x5f: {  	s3 =	rddreg [dreg:$0x2];
	[bflag:$0x3] =	sbarrier.arrive $0xFFFF;
	s2 =	simm.s32 @!p0 $0x1C01  }
0x60: {  	[timem:s3], [sflag:s2] =	dma.local @!p0 [hbm:s0], s1  }
0x61: {  	s0 =	simm.s32 @!p0 $0x1  }
0x62: {  	_ =	swait.ge @!p0 [sflag:s0], s1  }
0x63: {  	s1 =	ssub.s32 @!p0 $0x0, s1;
	[sflag:s0] =	ssyncset.done @!p0 $0x0  }
0x64: {  	[sflag:s0] =	ssyncadd.s32 @!p0 s1  }
0x65: {  	[bflag:$0x3] =	sbarrier.arrive $0xFFFF  }
0x66: {  	_ =	shalt  }

// kernel: kernel.8.cloned.1.call-start
scs
__scs_entry_jumppad:
0x0: {  	(pc) =	sbr.rel $0x88, $3  }
0x1: {  	(tag) =	ssettag $0x0;
	lr =	simm.s32 $0x1  }
0x2: {  	[smem:$0x3F9B] =	sst lr;
	_ =	strace $0xD0000000  }
0x3: {  	_ = 	snop  }
0x4: {  	_ = 	snop  }
0x5: {  	_ = 	snop  }
0x6: {  	_ = 	snop  }
0x7: {  	_ = 	snop  }
__scs_overlays_trampoline_lowered:
0x8: {  	[smem:$0x3FAA] =	sst s0  }
0x9: {  	[smem:$0x3FAB] =	sst s1  }
0xa: {  	[smem:$0x3FAC] =	sst s2  }
0xb: {  	[smem:$0x3FAD] =	sst s3  }
0xc: {  	[smem:$0x3FAE] =	sst s4  }
0xd: {  	[smem:$0x3FAF] =	sst s5  }
0xe: {  	[smem:$0x3FB0] =	sst s6  }
0xf: {  	[smem:$0x3FB1] =	sst s7  }
0x10: {  	[smem:$0x3FB2] =	sst s8  }
0x11: {  	[smem:$0x3FB3] =	sst s9;
	s0 =	simm.s32 @!p0 $0x0  }
0x12: {  	s1 =	sld [smem:$0x3F99];
	s0 =	simm.s32 @p0 $0x1  }
0x13: {  	[smem:$0x3FB4] =	sst s0;
	s0 =	simm.s32 @!p1 $0x0  }
0x14: {  	s2 =	sld [smem:$0x3F98];
	s0 =	simm.s32 @p1 $0x1  }
0x15: {  	[smem:$0x3FB5] =	sst s0;
	s0 =	simm.s32 @!p2 $0x0  }
0x16: {  	s3 =	sld [smem:$0x3FDB];
	s0 =	simm.s32 @p2 $0x1  }
0x17: {  	s4 =	simm.s32 $0x1BF5;
	[smem:$0x3FB7] =	sst s0  }
0x18: {  	s0 =	sld [smem:$0x3F9A];
	_ =	swait.ge [sflag:s4], $0x0  }
0x19: {  	s7 =	sld [smem:$0x3F9B]  }
0x1a: {  	s8 =	sadd.s32 $0xFFFFE003, lr  }
0x1b: {  	s9 =	sadd.s32 $0xFFFFFEF7, lr;
	s5 =	simm.s32 $0xFFFFFFFF;
	p2 =	slt.u32 s8, $0xFFFFF086  }
0x1c: {  	p1 =	slt.u32 s9, $0xF7A;
	s5 =	simm.s32 @!p2 $0x0  }
0x1d: {  	s5 =	simm.s32 @p1 $0x1;
	p0 =	seq.s32 s7, s2  }
0x1e: {  	s7 =	smul.u32 @!p0 $0xF7A, s2;
	p2 =	seq.s32 @!p0 s5, $0x0  }
0x1f: {  	s9 =	smul.u32 $0xF7A, s1;
	s8 =	simm.s32 @!p0 $0x1BF5;
	p2 =	por !p2, p0  }
0x20: {  	[sflag:s8] =	ssyncset.s32 @!p0 $0xFFFFF086;
	s6 =	sadd.s32 @!p0 s3, s7;
	s7 =	simm.s32 @!p0 $0x108  }
0x21: {  	s3 =	sadd.s32 s3, s9;
	s6 =	sadd.s32 @!p0 $0x88, s6;
	s7 =	simm.s32 @p2 $0x1082  }
0x22: {  	[simem:s7], [sflag:s8] =	dma.local @!p0 [hbm:s6], $0xF7A  }
0x23: {  	s9 =	sor.u32 $0xD0000000, s2;
	s6 =	simm.s32 $0x108;
	_ =	swait.ge @!p0 [sflag:s8], $0x0  }
0x24: {  	s3 =	sadd.s32 $0x88, s3;
	s6 =	simm.s32 @!p1 $0x1082;
	[sflag:s4] =	ssyncset.s32 $0xFFFFF086  }
0x25: {  	[simem:s6], [sflag:s4] =	dma.local [hbm:s3], $0xF7A  }
0x26: {  	[smem:$0x3F9B] =	sst s1;
	(tag) =	ssettag s2;
	_ =	strace s9  }
0x27: {  	s1 =	sld [smem:$0x3FAB]  }
0x28: {  	s2 =	sld [smem:$0x3FAC]  }
0x29: {  	s4 =	sld [smem:$0x3FAE]  }
0x2a: {  	p0 =	seq.s32 s5, $0x0;
	s5 =	sld [smem:$0x3FAF]  }
0x2b: {  	s6 =	sld [smem:$0x3FB0]  }
0x2c: {  	s7 =	sld [smem:$0x3FB1]  }
0x2d: {  	s3 =	simm.s32 $0x108;
	s8 =	sld [smem:$0x3FB2]  }
0x2e: {  	s3 =	simm.s32 @!p0 $0x1082;
	s9 =	sld [smem:$0x3FB3]  }
0x2f: {  	lr =	sadd.s32 s0, s3;
	s0 =	sld [smem:$0x3FAA]  }
0x30: {  	s3 =	sld [smem:$0x3FAD]  }
0x31: {  	[smem:$0x3FB6] =	sst s10  }
0x32: {  	s10 =	sld [smem:$0x3FB4];
	_ =	sdelay $0x3  }
0x33: {  	p0 =	seq.s32 s10, $0x1;
	s10 =	sld [smem:$0x3FB6];
	_ =	sdelay $0x3  }
0x34: {  	[smem:$0x3FB6] =	sst s10  }
0x35: {  	s10 =	sld [smem:$0x3FB5];
	_ =	sdelay $0x3  }
0x36: {  	p1 =	seq.s32 s10, $0x1;
	s10 =	sld [smem:$0x3FB6];
	_ =	sdelay $0x3  }
0x37: {  	[smem:$0x3FB6] =	sst s10  }
0x38: {  	s10 =	sld [smem:$0x3FB7]  }
0x39: {  	_ = 	snop;
	(pc) =	sbr.ind lr, $3  }
0x3a: {  	_ = 	snop  }
0x3b: {  	_ = 	snop  }
0x3c: {  	p2 =	seq.s32 s10, $0x1;
	s10 =	sld [smem:$0x3FB6]  }
0x3d: {  	_ =	shalt  }
0x3e: {  	_ =	shalt  }
0x3f: {  	_ =	shalt  }
0x40: {  	_ =	shalt  }
0x41: {  	_ =	shalt  }
0x42: {  	_ =	shalt  }
0x43: {  	_ =	shalt  }
0x44: {  	_ =	shalt  }
0x45: {  	_ =	shalt  }
0x46: {  	_ =	shalt  }
0x47: {  	_ =	shalt  }
0x48: {  	_ =	shalt  }
0x49: {  	_ =	shalt  }
0x4a: {  	_ =	shalt  }
0x4b: {  	_ =	shalt  }
0x4c: {  	_ =	shalt  }
0x4d: {  	_ =	shalt  }
0x4e: {  	_ =	shalt  }
0x4f: {  	_ =	shalt  }
0x50: {  	_ =	shalt  }
0x51: {  	_ =	shalt  }
0x52: {  	_ =	shalt  }
0x53: {  	_ =	shalt  }
0x54: {  	_ =	shalt  }
0x55: {  	_ =	shalt  }
0x56: {  	_ =	shalt  }
0x57: {  	_ =	shalt  }
0x58: {  	_ =	shalt  }
0x59: {  	_ =	shalt  }
0x5a: {  	_ =	shalt  }
0x5b: {  	_ =	shalt  }
0x5c: {  	_ =	shalt  }
0x5d: {  	_ =	shalt  }
0x5e: {  	_ =	shalt  }
0x5f: {  	_ =	shalt  }
0x60: {  	_ =	shalt  }
0x61: {  	_ =	shalt  }
0x62: {  	_ =	shalt  }
0x63: {  	_ =	shalt  }
0x64: {  	_ =	shalt  }
0x65: {  	_ =	shalt  }
0x66: {  	_ =	shalt  }
0x67: {  	_ =	shalt  }
0x68: {  	_ =	shalt  }
0x69: {  	_ =	shalt  }
0x6a: {  	_ =	shalt  }
0x6b: {  	_ =	shalt  }
0x6c: {  	_ =	shalt  }
0x6d: {  	_ =	shalt  }
0x6e: {  	_ =	shalt  }
0x6f: {  	_ =	shalt  }
0x70: {  	_ =	shalt  }
0x71: {  	_ =	shalt  }
0x72: {  	_ =	shalt  }
0x73: {  	_ =	shalt  }
0x74: {  	_ =	shalt  }
0x75: {  	_ =	shalt  }
0x76: {  	_ =	shalt  }
0x77: {  	_ =	shalt  }
0x78: {  	_ =	shalt  }
0x79: {  	_ =	shalt  }
0x7a: {  	_ =	shalt  }
0x7b: {  	_ =	shalt  }
0x7c: {  	_ =	shalt  }
0x7d: {  	_ =	shalt  }
0x7e: {  	_ =	shalt  }
0x7f: {  	_ =	shalt  }
0x80: {  	_ =	shalt  }
0x81: {  	_ =	shalt  }
0x82: {  	_ =	shalt  }
0x83: {  	_ =	shalt  }
0x84: {  	_ =	shalt  }
0x85: {  	_ =	shalt  }
0x86: {  	_ =	shalt  }
0x87: {  	_ =	shalt  }
.Lfunc_end0:
.L_simem_size_0:
called_computation_lowered:
.L_overlay_start_0:
0x88: {  	s2 =	sld [smem:$0x3FD9]  }
0x89: {  	s3 =	sld [smem:$0x3FFE];
	_ =	sdelay $0x1  }
0x8a: {  	s1 =	srdreg.scid  }
0x8b: {  	s0 =	sand.u32 $0x1, s1  }
0x8c: {  	s17 =	sshll.u32 s0, $0xA;
	s2 =	sadd.s32 s3, s2  }
0x8d: {  	s2 =	sadd.s32 s2, s17  }
0x8e: {  	[smem:$0x3FC2] =	sst s2  }
0x8f: {  	_ = 	snop  }
0x90: {  	s2 =	sld [smem:$0x3FD0];
	(tm) =	ssettm $0x1  }
0x91: {  	s18 =	sld [smem:$0x3FFB];
	_ =	sdelay $0x3  }
0x92: {  	_ =	strace s18  }
0x93: {  	s3 =	sld [smem:$0x3FFC];
	_ =	sdelay $0x3  }
0x94: {  	_ =	strace s3  }
0x95: {  	s3 =	sld [smem:$0x3FFD];
	_ =	sdelay $0x3  }
0x96: {  	_ =	strace s3  }
0x97: {  	_ =	strace $0x8FFFFFFF  }
0x98: {  	s19 =	sld [smem:$0x3FDB];
	_ =	sdelay $0x1  }
0x99: {  	s4 =	simm.s32 $_scs_section_size  }
0x9a: {  	s5 =	simm.s32 $_size__tile_overlayer_lowered;
	s6 =	simm.s32 $_tile_overlayer_lowered  }
0x9b: {  	s22 =	simm.s32 $0x1BFF;
	s21 =	sshll.u32 s6, $0x1;
	s3 =	sadd.s32 s4, s19  }
0x9c: {  	s7 =	simm.s32 $0x0;
	s20 =	sshll.u32 s5, $0x1;
	s5 =	sadd.s32 s21, s3  }
0x9d: {  	[timem:s7], [sflag:s22] =	dma.local [hbm:s5], s20  }
0x9e: {  	_ =	swait.ge [sflag:s22], s20  }
0x9f: {  	s4 =	ssub.s32 $0x0, s20;
	[sflag:s22] =	ssyncset.done $0x0  }
0xa0: {  	[sflag:s22] =	ssyncadd.s32 s4;
	_ =	sdelay $0x1  }
0xa1: {  	s23 =	simm.s32 $0x1B8B  }
0xa2: {  	_ =	swait.ge [sflag:s23], $0x1  }
0xa3: {  	[sflag:s23] =	ssyncset.done $0x0  }
0xa4: {  	s25 =	simm.s32 $0x1B8E;
	s24 =	sld [smem:$0x3FFE];
	[sflag:s23] =	ssyncadd.s32 $0xFFFFFFFF  }
0xa5: {  	s26 =	simm.s32 $execute0_lowered;
	[smem:$0x3FD2] =	sst s25  }
0xa6: {  	s5 =	sshll.u32 s26, $0x1;
	_ =	strace $0x80000046;
	[dreg:$0x1] =	wrdreg $0xFFFFFFFF  }
0xa7: {  	s28 =	simm.s32 $_size_execute0_lowered;
	s3 =	sadd.s32 s3, s5;
	[dreg:$0x0] =	wrdreg $0x0  }
0xa8: {  	s5 =	sshll.u32 s28, $0x1;
	[dreg:$0x2] =	wrdreg s3  }
0xa9: {  	[dreg:$0x3] =	wrdreg s5  }
0xaa: {  	[dreg:$0x4] =	wrdreg $0xC0  }
0xab: {  	_ =	task [dreg:s7], $0x5FFFF  }
0xac: {  	[dreg:$0x1] =	wrdreg $0xFFFFFFFF  }
0xad: {  	[dreg:$0x0] =	wrdreg $0x60  }
0xae: {  	[dreg:$0x2] =	wrdreg s2  }
0xaf: {  	[dreg:$0x3] =	wrdreg s24  }
0xb0: {  	[dreg:$0x4] =	wrdreg $0x68000  }
0xb1: {  	[dreg:$0x5] =	wrdreg $0x9  }
0xb2: {  	_ =	task.clear_ibuf [dreg:s7], $0x6FFFF;
	_ =	strace $0x90000046  }
0xb3: {  	s29 =	simm.s32 $0x9;
	_ =	strace $0x80000048  }
0xb4: {  	_ =	swait.ge [sflag:s29], $0x1  }
0xb5: {  	[sflag:s29] =	ssyncadd.s32 $0xFFFFFFFF  }
0xb6: {  	_ =	strace $0x90000048  }
0xb7: {  	_ =	sfence  }
0xb8: {  	s30 =	sld [smem:$0x0];
	_ =	sdelay $0x2  }
0xb9: {  	s31 =	sshll.u32 s1, $0xD;
	s1 =	sshrl.u32 s1, $0x2  }
0xba: {  	s3 =	sand.u32 $0x4000, s31;
	s1 =	sadd.s32 s1, s30  }
0xbb: {  	s0 =	sor.u32 s3, s0;
	s1 =	sshll.u32 s1, $0x11  }
0xbc: {  	s0 =	sor.u32 s1, s0  }
0xbd: {  	s0 =	sadd.s32 $0x8F2B, s0  }
0xbe: {  	[sflag:s0] =	ssyncadd.remote.s32 $0x1  }
0xbf: {  	_ =	sfence.sel $0xFFFF  }
0xc0: {  	[dreg:$0x0] =	wrdreg $0xFFFFFFFF;
	(pc) =	sbr.abs _section_cstart, $3  }
0xc1: {  	[dreg:$0x1] =	wrdreg $0xFFFFFFFF  }
0xc2: {  	_ =	task.clear_ibuf [dreg:s7], $0x2FFFF;
	_ =	strace $0x9FFFFFFF  }
0xc3: {  	(tm) =	ssettm $0x7FFFFFFF  }
tec
execute0_lowered:
.L_overlay_start_1:
0x0: {  	(tag) =	ssettag $0x1  }
0x1: {  	s9 =	rddreg [dreg:$0x0]  }
0x2: {  	s10 =	rddreg [dreg:$0x1]  }
0x3: {  	s2 =	rddreg [dreg:$0x2]  }
0x4: {  	s0 =	rddreg [dreg:$0x3]  }
0x5: {  	s1 =	stileid.u32;
	s3 =	simm.s32 $0x0;
	s4 =	srdreg.scid  }
0x6: {  	s13 =	simm.s32 $0x2B400;
	s5 =	smul.u32 $0x50000, s1;
	[smem:$0x7FF] =	sst s3  }
0x7: {  	s6 =	sand.u32 $0x1, s4;
	s14 =	smul.u32 $0x2800, s1;
	s15 =	sshll.u32 s1, $0x6  }
0x8: {  	_ =	strace $0x80000047;
	s7 =	ssub.s32 $0x2, s6;
	s8 =	sshll.u32 s6, $0x4  }
0x9: {  	p0 =	seq.s32 s6, $0x1;
	s15 =	sor.u32 $0x1C01, s15;
	s29 =	sshrl.u32 s5, $0x2  }
0xa: {  	s30 =	sshrl.u32 s7, $0x1;
	s31 =	sor.u32 s1, s8;
	s13 =	simm.s32 @!p0 $0x3400  }
0xb: {  	s4 =	sadd.s32 s29, s2;
	s11 =	ssub.s32 s7, s30;
	s12 =	smul.u32 $0x500, s31  }
0xc: {  	s13 =	sadd.s32 s13, s10;
	s5 =	sadd.s32 $0x4000, s4;
	s6 =	sadd.s32 $0x8000, s4  }
0xd: {  	s7 =	sadd.s32 $0xC000, s4;
	s8 =	sadd.s32 $0x10000, s4;
	s10 =	smax.u32 s11, $0x1  }
0xe: {  	s11 =	sadd.s32 s13, s14;
	s13 =	simm.s32 $0x1;
	s14 =	simm.s32 $0x80  }
0xf: {  	v0 =	vimm.f32 $0.0e+00;
	v1 =	vimm.f32 $1.000000000e+00;
	s16 =	sshrl.u32 s4, $0x3;
	s9 =	sadd.s32 s9, s12;
	s12 =	simm.s32 $0x2800  }
.LBB2_1:
0x10: {  	s17 =	simm.s32 $0x200;
	s18 =	simm.s32 $0x0  }
.LBB2_2:
0x11: {  	p0 =	sne.s32 s17, $0xFE00;
	[tilespmem:s18+$0x2800] =	vst v0;
	s18 =	smov.u32 s17;
	s17 =	sadd.s32 $0x200, s17  }
.Ltmp0:
0x12: {  	(pc) =	sbr.rel @p0 .LBB2_2-.Ltmp0, $2  }
0x13: {  	_ =	sdelay $0x2  }
0x14: {  	s18 =	sshra.s32 s18, $0x2  }
0x15: {  	[tilespmem:s18+$0x2800] =	vst v0  }
0x16: {  	[spmem:s4] =	stream.linear.scatter [tilespmem:s12], [sflag:$0x1], $0x4000, $0x38;
	[tilespmem:$0x9000] =	vst v63  }
0x17: {  	_ =	swait.ge [sflag:s13], $0x4000  }
0x18: {  	[sflag:s13] =	ssyncset.done $0x0  }
0x19: {  	[sflag:s13] =	ssyncadd.s32 $0xFFFFC000  }
0x1a: {  	[spmem:s5] =	stream.linear.scatter [tilespmem:s12], [sflag:$0x1], $0x4000, $0x38;
	[tilespmem:$0x9000] =	vst v63  }
0x1b: {  	_ =	swait.ge [sflag:s13], $0x4000  }
0x1c: {  	[sflag:s13] =	ssyncset.done $0x0  }
0x1d: {  	[sflag:s13] =	ssyncadd.s32 $0xFFFFC000  }
0x1e: {  	[spmem:s6] =	stream.linear.scatter [tilespmem:s12], [sflag:$0x1], $0x4000, $0x38;
	[tilespmem:$0x9000] =	vst v63  }
0x1f: {  	_ =	swait.ge [sflag:s13], $0x4000  }
0x20: {  	[sflag:s13] =	ssyncset.done $0x0  }
0x21: {  	[sflag:s13] =	ssyncadd.s32 $0xFFFFC000  }
0x22: {  	[spmem:s7] =	stream.linear.scatter [tilespmem:s12], [sflag:$0x1], $0x4000, $0x38;
	[tilespmem:$0x9000] =	vst v63  }
0x23: {  	_ =	swait.ge [sflag:s13], $0x4000  }
0x24: {  	[sflag:s13] =	ssyncset.done $0x0  }
0x25: {  	[sflag:s13] =	ssyncadd.s32 $0xFFFFC000  }
0x26: {  	[spmem:s8] =	stream.linear.scatter [tilespmem:s12], [sflag:$0x1], $0x4000, $0x38;
	[tilespmem:$0x9000] =	vst v63  }
0x27: {  	_ =	swait.ge [sflag:s13], $0x4000  }
0x28: {  	[sflag:s13] =	ssyncset.done $0x0  }
0x29: {  	[sflag:s13] =	ssyncadd.s32 $0xFFFFC000  }
0x2a: {  	s17 =	simm.s32 $0x200;
	s18 =	simm.s32 $0x0;
	[bflag:$0x0] =	sbarrier.arrive $0xFFFF  }
.LBB2_4:
0x2b: {  	p0 =	sne.s32 s17, $0xFE00;
	[tilespmem:s18+$0x2800] =	vst v1;
	s18 =	smov.u32 s17;
	s17 =	sadd.s32 $0x200, s17  }
.Ltmp1:
0x2c: {  	(pc) =	sbr.rel @p0 .LBB2_4-.Ltmp1, $2  }
0x2d: {  	_ =	sdelay $0x2  }
0x2e: {  	s18 =	sshra.s32 s18, $0x2  }
0x2f: {  	[tilespmem:s18+$0x2800] =	vst v1;
	s17 =	simm.s32 $0x0  }
0x30: {  	[tilespmem:s17], [sflag:$0x1] =	stream.linear.gather [hbm4b:s9+s17], $0x2800, $0x38;
	[tilespmem:$0x9000] =	vst v63  }
0x31: {  	_ =	swait.ge [sflag:s13], $0x2800  }
0x32: {  	[sflag:s13] =	ssyncset.done $0x0  }
0x33: {  	s31 =	simm.s32 $0x0;
	[sflag:s13] =	ssyncadd.s32 $0xFFFFD800  }
0x34: {  	[spmem:s2] =	stream.indirect.scatter.add.f32 [tilespmem:s12], [sflag:$0x1], $0x10, s31, s14, $0xb8;
	[tilespmem:$0x9000] =	vst v63  }
0x35: {  	_ =	swait.ge [sflag:s13], $0x800  }
0x36: {  	s17 =	simm.s32 $0x200;
	[sflag:s13] =	ssyncset.done $0x0  }
.LBB2_6:
0x37: {  	s18 =	sshra.s32 s17, $0x2;
	[sflag:s13] =	ssyncadd.s32 $0xFFFFF800;
	p0 =	sne.s32 s17, $0x9E00  }
0x38: {  	[spmem:s2] =	stream.indirect.scatter.add.f32 [tilespmem:s12], [sflag:$0x1], $0x10, s18, s14, $0xb8;
	[tilespmem:$0x9000] =	vst v63  }
.Ltmp2:
0x39: {  	_ = 	snop;
	(pc) =	sbr.rel @p0 .LBB2_6-.Ltmp2, $4  }
0x3a: {  	_ = 	snop  }
0x3b: {  	s17 =	sadd.s32 $0x200, s17  }
0x3c: {  	_ =	swait.ge [sflag:s13], $0x800  }
0x3d: {  	[sflag:s13] =	ssyncset.done $0x0  }
0x3e: {  	s3 =	sadd.s32 $0x1, s3  }
0x3f: {  	[sflag:s13] =	ssyncadd.s32 $0xFFFFF800;
	p0 =	sne.s32 s3, s10  }
.Ltmp3:
0x40: {  	[bflag:$0x0] =	sbarrier.arrive $0xFFFF;
	(pc) =	sbr.rel @p0 .LBB2_1-.Ltmp3, $4  }
0x41: {  	[hbm:s11], [sflag:s15] =	dma.local [spmem:s16], $0x2800  }
0x42: {  	_ =	swait.ge [sflag:s13], $0x2800  }
0x43: {  	[sflag:s13] =	ssyncset.done $0x0  }
0x44: {  	[sflag:s13] =	ssyncadd.s32 $0xFFFFD800  }
0x45: {  	_ =	sfence.sel $0x180000  }
0x46: {  	[bflag:$0x0] =	sbarrier.arrive $0xFFFF  }
0x47: {  	p0 =	sne.s32 s1, $0x0;
	_ =	strace $0x90000047  }
0x48: {  	s0 =	sadd.s32 @!p0 $0x100000, s0;
	[bflag:$0x2] =	sbarrier.arrive $0xFFFF  }
0x49: {  	[sflag:s0] =	ssyncadd.tile.s32 @!p0 $0x1;
	_ =	shalt  }
.Lfunc_end2:
_tile_overlayer_lowered:
.L_overlay_start_2:
0x4a: {  	(tag) =	ssettag $0x2  }
0x4b: {  	s0 =	rddreg [dreg:$0x0];
	s2 =	stileid.u32  }
0x4c: {  	s1 =	rddreg [dreg:$0x1];
	p0 =	sne.s32 s2, $0x0  }
0x4d: {  	s3 =	rddreg [dreg:$0x2];
	[bflag:$0x3] =	sbarrier.arrive $0xFFFF;
	s2 =	simm.s32 @!p0 $0x1C01  }
0x4e: {  	[timem:s3], [sflag:s2] =	dma.local @!p0 [hbm:s0], s1  }
0x4f: {  	s0 =	simm.s32 @!p0 $0x1  }
0x50: {  	_ =	swait.ge @!p0 [sflag:s0], s1  }
0x51: {  	s1 =	ssub.s32 @!p0 $0x0, s1;
	[sflag:s0] =	ssyncset.done @!p0 $0x0  }
0x52: {  	[sflag:s0] =	ssyncadd.s32 @!p0 s1  }
0x53: {  	[bflag:$0x3] =	sbarrier.arrive $0xFFFF  }
0x54: {  	_ =	shalt  }

</sc_bundles>
